<compile_context>
chip_gen: v7x
topology: tpu7x:2x2x1
jax: 0.10.2.dev20260603
libtpu: 0.0.44.dev20260713+nightly
codegen_flags: <defaults>
</compile_context>

<pallas_src>
import jax
import jax.numpy as jnp
from jax.experimental import pallas as pl
from jax.experimental.pallas import tpu as pltpu


def _stats_kernel(x_ref, n_ref, nv_ref, iw_ref, ib_ref, sc_ref, sh_ref):
    xb = x_ref[0]
    nb = n_ref[0]
    npix = float(xb.shape[1] * xb.shape[2])
    sx = jnp.sum(xb, axis=(1, 2))
    sxx = jnp.sum(xb * xb, axis=(1, 2))
    sxn = jnp.sum(xb * nb[None, :, :], axis=(1, 2))
    sn = jnp.sum(nb)
    snn = jnp.sum(nb * nb)
    a = nv_ref[0, 0]
    mean = (sx + a * sn) / npix
    ex2 = (sxx + 2.0 * a * sxn + a * a * snn) / npix
    var = ex2 - mean * mean
    rstd = 1.0 / jnp.sqrt(var + 1e-5)
    scl = iw_ref[0, 0] * rstd
    sc_ref[0, 0, 0] = scl
    sh_ref[0, 0, 0] = ib_ref[0, 0] - mean * scl


def _select_kernel(seg_ref, code_ref, out_ref):
    s = seg_ref[0]
    P, NR = s.shape
    jio = jax.lax.broadcasted_iota(jnp.int32, (P, NR), 1)
    jidx = jnp.max(jnp.where(s != 0, jio, -1), axis=1)
    oh = (jio == jidx[:, None]).astype(jnp.float32)
    out_ref[0] = jnp.dot(oh, code_ref[0], preferred_element_type=jnp.float32)


def _make_main_kernel(TH, H, W, C, SD, NH):
    HR = TH + 2

    def main_kernel(sp_ref, sc_ref, sn_ref, mt_ref, mc_ref, mb_ref,
                    x_ref, n_ref, nv_ref, scl_ref, shf_ref,
                    ws_ref, wg_ref, wm_ref, bm_ref, bgb_ref, out_ref,
                    sxt_ref, hx_ref, acc_ref, hacc_ref):
        i = pl.program_id(1)
        nt = pl.num_programs(1)
        f32 = jnp.float32

        sxt_ref[:, 0:1, :] = jnp.zeros((HR, 1, SD), f32)
        sxt_ref[:, W + 1:W + 2, :] = jnp.zeros((HR, 1, SD), f32)
        sxt_ref[0:1, 1:W + 1, :] = jnp.where(i > 0, sp_ref[0],
                                             jnp.zeros_like(sp_ref[0]))
        sxt_ref[1:TH + 1, 1:W + 1, :] = sc_ref[0]
        sxt_ref[TH + 1:HR, 1:W + 1, :] = jnp.where(i < nt - 1, sn_ref[0],
                                                   jnp.zeros_like(sn_ref[0]))

        mtop = jnp.where(i > 0, mt_ref[0], jnp.zeros_like(mt_ref[0]))
        mbot = jnp.where(i < nt - 1, mb_ref[0], jnp.zeros_like(mb_ref[0]))
        mx = jnp.concatenate([mtop, mc_ref[0], mbot], axis=0)
        zm = jnp.zeros((TH + 4, 1, 3), f32)
        mx = jnp.concatenate([zm, mx, zm], axis=1)

        hacc_ref[...] = jnp.broadcast_to(bm_ref[...], (HR * W, NH))
        for dy in range(3):
            for dx in range(3):
                patch = mx[dy:dy + HR, dx:dx + W, :].reshape(HR * W, 3)
                hacc_ref[...] += jnp.dot(patch, wm_ref[dy * 3 + dx],
                                         preferred_element_type=f32)
        hacc = hacc_ref[...]
        hid = jnp.where(hacc >= 0, hacc, 0.2 * hacc).reshape(HR, W, NH)
        rio = jax.lax.broadcasted_iota(jnp.int32, (HR, 1, 1), 0)
        bad = ((rio == 0) & (i == 0)) | ((rio == HR - 1) & (i == nt - 1))
        hx_ref[:, 0:1, :] = jnp.zeros((HR, 1, NH), f32)
        hx_ref[:, W + 1:W + 2, :] = jnp.zeros((HR, 1, NH), f32)
        hx_ref[:, 1:W + 1, :] = jnp.where(bad, 0.0, hid)

        acc_ref[...] = jnp.broadcast_to(bgb_ref[...], (TH * W, 2 * C))
        for dy in range(3):
            for dx in range(3):
                t = dy * 3 + dx
                ps = sxt_ref[dy:dy + TH, dx:dx + W, :].reshape(TH * W, SD)
                acc_ref[...] += jnp.dot(ps, ws_ref[t],
                                        preferred_element_type=f32)
                ph = hx_ref[dy:dy + TH, dx:dx + W, :].reshape(TH * W, NH)
                acc_ref[...] += jnp.dot(ph, wg_ref[t],
                                        preferred_element_type=f32)

        acc = acc_ref[...]
        g3 = acc[:, :C].reshape(TH, W, C)
        b3 = acc[:, C:].reshape(TH, W, C)
        nvv = nv_ref[...][0]
        scl = scl_ref[0, 0]
        shf = shf_ref[0, 0]
        xn3 = x_ref[0] + n_ref[0][:, :, None] * nvv[None, None, :]
        xnorm = xn3 * scl[None, None, :] + shf[None, None, :]
        out_ref[0] = xnorm * (1.0 + g3) + b3

    return main_kernel


def kernel(x, segmap_attentions, codes_vector, mask, noise, noise_var,
           in_w, in_b, ms_w, ms_b, mg_w, mg_b, mb_w, mb_b,
           cg_w, cg_b, cb_w, cb_b, blend_g, blend_b):
    B, C, H, W = x.shape
    NR = segmap_attentions.shape[1]
    SD = codes_vector.shape[2]
    NH = ms_w.shape[0]
    Hs = segmap_attentions.shape[2]
    Ws = segmap_attentions.shape[3]
    P = Hs * Ws
    f32 = jnp.float32

    TH = 16
    NT = H // TH
    TC = 32
    NC = C // TC

    ga = jax.nn.sigmoid(blend_g[0])
    ba = jax.nn.sigmoid(blend_b[0])

    cgT = jnp.transpose(cg_w, (2, 3, 1, 0)).reshape(9, SD, C)
    cbT = jnp.transpose(cb_w, (2, 3, 1, 0)).reshape(9, SD, C)
    w_style = jnp.concatenate([ga * cgT, ba * cbT], axis=2)
    mgT = jnp.transpose(mg_w, (2, 3, 1, 0)).reshape(9, NH, C)
    mbT = jnp.transpose(mb_w, (2, 3, 1, 0)).reshape(9, NH, C)
    w_gated = jnp.concatenate([(1 - ga) * mgT, (1 - ba) * mbT], axis=2)
    w_ms = jnp.transpose(ms_w, (2, 3, 1, 0)).reshape(9, 3, NH)
    b_gb = jnp.concatenate([ga * cg_b + (1 - ga) * mg_b,
                            ba * cb_b + (1 - ba) * mb_b])[None, :]
    b_ms = ms_b[None, :]

    noiseT = jnp.transpose(noise[:, :, :, 0], (0, 2, 1))
    seg_flat = jnp.transpose(segmap_attentions, (0, 2, 3, 1)).reshape(B, P, NR)
    mask_up = jnp.repeat(jnp.repeat(jnp.transpose(mask, (0, 2, 3, 1)),
                                    2, axis=1), 2, axis=2)
    xT = jnp.transpose(x, (0, 2, 3, 1))
    nv2 = noise_var[None, :]
    iw2 = in_w[None, :]
    ib2 = in_b[None, :]

    nv3 = noise_var.reshape(NC, 1, TC)
    iw3 = in_w.reshape(NC, 1, TC)
    ib3 = in_b.reshape(NC, 1, TC)
    scale4, shift4 = pl.pallas_call(
        _stats_kernel,
        grid=(B, NC),
        in_specs=[
            pl.BlockSpec((1, TC, H, W), lambda b, c: (b, c, 0, 0)),
            pl.BlockSpec((1, H, W), lambda b, c: (b, 0, 0)),
            pl.BlockSpec((1, 1, TC), lambda b, c: (c, 0, 0)),
            pl.BlockSpec((1, 1, TC), lambda b, c: (c, 0, 0)),
            pl.BlockSpec((1, 1, TC), lambda b, c: (c, 0, 0)),
        ],
        out_specs=[
            pl.BlockSpec((1, 1, 1, TC), lambda b, c: (b, c, 0, 0)),
            pl.BlockSpec((1, 1, 1, TC), lambda b, c: (b, c, 0, 0)),
        ],
        out_shape=[
            jax.ShapeDtypeStruct((B, NC, 1, TC), f32),
            jax.ShapeDtypeStruct((B, NC, 1, TC), f32),
        ],
    )(x, noiseT, nv3, iw3, ib3)
    scale3 = scale4.reshape(B, 1, C)
    shift3 = shift4.reshape(B, 1, C)

    style_small = pl.pallas_call(
        _select_kernel,
        grid=(B,),
        in_specs=[
            pl.BlockSpec((1, P, NR), lambda b: (b, 0, 0)),
            pl.BlockSpec((1, NR, SD), lambda b: (b, 0, 0)),
        ],
        out_specs=pl.BlockSpec((1, P, SD), lambda b: (b, 0, 0)),
        out_shape=jax.ShapeDtypeStruct((B, P, SD), f32),
    )(seg_flat, codes_vector)

    style_up = style_small.reshape(B, Hs, Ws, SD)
    style_up = jnp.repeat(jnp.repeat(style_up, 2, axis=1), 2, axis=2)

    TH2 = TH // 2
    out_nhwc = pl.pallas_call(
        _make_main_kernel(TH, H, W, C, SD, NH),
        grid=(B, NT),
        in_specs=[
            pl.BlockSpec((1, 1, W, SD),
                         lambda b, i: (b, jnp.maximum(i * TH - 1, 0), 0, 0)),
            pl.BlockSpec((1, TH, W, SD), lambda b, i: (b, i, 0, 0)),
            pl.BlockSpec((1, 1, W, SD),
                         lambda b, i: (b, jnp.minimum((i + 1) * TH, H - 1), 0, 0)),
            pl.BlockSpec((1, 2, W, 3),
                         lambda b, i: (b, jnp.maximum(i * TH2 - 1, 0), 0, 0)),
            pl.BlockSpec((1, TH, W, 3), lambda b, i: (b, i, 0, 0)),
            pl.BlockSpec((1, 2, W, 3),
                         lambda b, i: (b, jnp.minimum((i + 1) * TH2, H // 2 - 1), 0, 0)),
            pl.BlockSpec((1, TH, W, C), lambda b, i: (b, i, 0, 0)),
            pl.BlockSpec((1, TH, W), lambda b, i: (b, i, 0)),
            pl.BlockSpec((1, C), lambda b, i: (0, 0)),
            pl.BlockSpec((1, 1, C), lambda b, i: (b, 0, 0)),
            pl.BlockSpec((1, 1, C), lambda b, i: (b, 0, 0)),
            pl.BlockSpec((9, SD, 2 * C), lambda b, i: (0, 0, 0)),
            pl.BlockSpec((9, NH, 2 * C), lambda b, i: (0, 0, 0)),
            pl.BlockSpec((9, 3, NH), lambda b, i: (0, 0, 0)),
            pl.BlockSpec((1, NH), lambda b, i: (0, 0)),
            pl.BlockSpec((1, 2 * C), lambda b, i: (0, 0)),
        ],
        out_specs=pl.BlockSpec((1, TH, W, C), lambda b, i: (b, i, 0, 0)),
        out_shape=jax.ShapeDtypeStruct((B, H, W, C), f32),
        scratch_shapes=[
            pltpu.VMEM((TH + 2, W + 2, SD), f32),
            pltpu.VMEM((TH + 2, W + 2, NH), f32),
            pltpu.VMEM((TH * W, 2 * C), f32),
            pltpu.VMEM(((TH + 2) * W, NH), f32),
        ],
    )(style_up, style_up, style_up, mask_up, mask_up, mask_up,
      xT, noiseT, nv2, scale3, shift3,
      w_style, w_gated, w_ms, b_ms, b_gb)

    return jnp.transpose(out_nhwc, (0, 3, 1, 2))

# --- scband reference (transcript-rebuilt; emitter-appended) ---
"""Pipeline reference for scband-semantic-region-mask-guide-norm2d-31078383354208 (READ-ONLY COPY).

The authoritative reference and input builder live on the scoring server;
editing this copy changes nothing except your own understanding.
"""

import jax, jax.numpy as jnp
import numpy as np


def _conv3x3(x, w, b):
    y = jax.lax.conv_general_dilated(x, w, (1, 1), ((1, 1), (1, 1)), dimension_numbers=('NCHW', 'OIHW', 'NCHW'))
    return y + b[None, :, None, None]


def _nearest(t, H, W):
    hi, wi = t.shape[2], t.shape[3]
    r = (jnp.arange(H) * hi) // H
    c = (jnp.arange(W) * wi) // W
    return t[:, :, r][:, :, :, c]


def setup_inputs(seed: int = 0):
    key = jax.random.key(seed)
    ks = jax.random.split(key, 16)
    B, C, H, W = 2, 96, 224, 224
    SD, NR, NH = 64, 19, 128
    x = jax.random.normal(ks[0], (B, C, H, W), jnp.float32)
    segmap_attentions = jax.random.uniform(ks[1], (B, NR, 112, 112), dtype=jnp.float32)
    codes_vector = jax.random.normal(ks[2], (B, NR, SD), jnp.float32)
    mask = jax.random.uniform(ks[3], (B, 3, 112, 112), dtype=jnp.float32)
    noise = jax.random.normal(ks[4], (B, W, H, 1), jnp.float32)
    noise_var = jnp.zeros((C,), jnp.float32)
    in_w = jnp.ones((C,), jnp.float32)
    in_b = jnp.zeros((C,), jnp.float32)
    ms_w = jax.random.normal(ks[5], (NH, 3, 3, 3), jnp.float32) * 0.05
    ms_b = jnp.zeros((NH,), jnp.float32)
    mg_w = jax.random.normal(ks[6], (C, NH, 3, 3), jnp.float32) * 0.05
    mg_b = jnp.zeros((C,), jnp.float32)
    mb_w = jax.random.normal(ks[7], (C, NH, 3, 3), jnp.float32) * 0.05
    mb_b = jnp.zeros((C,), jnp.float32)
    cg_w = jax.random.normal(ks[8], (C, SD, 3, 3), jnp.float32) * 0.05
    cg_b = jnp.zeros((C,), jnp.float32)
    cb_w = jax.random.normal(ks[9], (C, SD, 3, 3), jnp.float32) * 0.05
    cb_b = jnp.zeros((C,), jnp.float32)
    blend_g = jnp.zeros((1,), jnp.float32)
    blend_b = jnp.zeros((1,), jnp.float32)
    return {'x': x, 'segmap_attentions': segmap_attentions, 'codes_vector': codes_vector, 'mask': mask, 'noise': noise, 'noise_var': noise_var, 'in_w': in_w, 'in_b': in_b, 'ms_w': ms_w, 'ms_b': ms_b, 'mg_w': mg_w, 'mg_b': mg_b, 'mb_w': mb_w, 'mb_b': mb_b, 'cg_w': cg_w, 'cg_b': cg_b, 'cb_w': cb_w, 'cb_b': cb_b, 'blend_g': blend_g, 'blend_b': blend_b}


def reference(x, segmap_attentions, codes_vector, mask, noise, noise_var, in_w, in_b, ms_w, ms_b, mg_w, mg_b, mb_w, mb_b, cg_w, cg_b, cb_w, cb_b, blend_g, blend_b):
    B, C, H, W = x.shape
    SD = codes_vector.shape[2]
    # added noise: randn(B, W, H, 1) * noise_var -> (B, W, H, C) -> transpose(1,3) -> (B, C, H, W)
    added = jnp.transpose(noise * noise_var, (0, 3, 2, 1))
    xn = x + added
    # InstanceNorm2d(affine=True, eps=1e-5, no running stats)
    mu = jnp.mean(xn, axis=(2, 3), keepdims=True)
    var = jnp.var(xn, axis=(2, 3), keepdims=True)
    x_norm = (xn - mu) / jnp.sqrt(var + 1e-5) * in_w[None, :, None, None] + in_b[None, :, None, None]
    seg = _nearest(segmap_attentions, H, W)
    msk = _nearest(mask, H, W)
    # masked_scatter_ of per-region style codes: equivalent to per-channel constant fill where region mask is nonzero
    segb = seg != 0
    style = jnp.zeros((B, SD, H, W), x.dtype)
    for j in range(codes_vector.shape[1]):
        style = jnp.where(segb[:, j][:, None, :, :], codes_vector[:, j][:, :, None, None], style)
    gamma_style = _conv3x3(style, cg_w, cg_b)
    beta_style = _conv3x3(style, cb_w, cb_b)
    hid = _conv3x3(msk, ms_w, ms_b)
    hid = jnp.where(hid >= 0, hid, 0.2 * hid)
    gamma_gated = _conv3x3(hid, mg_w, mg_b)
    beta_gated = _conv3x3(hid, mb_w, mb_b)
    ga = jax.nn.sigmoid(blend_g)
    ba = jax.nn.sigmoid(blend_b)
    gamma_final = ga * gamma_style + (1 - ga) * gamma_gated
    beta_final = ba * beta_style + (1 - ba) * beta_gated
    return x_norm * (1 + gamma_final) + beta_final

if __name__ == "__main__":
    import jax
    _d = setup_inputs()
    print(jax.jit(kernel)(*tuple(_d.values())))

</pallas_src>

<mosaic_0001>
module attributes {stable_mosaic.version = 14 : i64} {
  func.func @_stats_kernel(%arg0: i32, %arg1: i32, %arg2: memref<1x32x224x224xf32, #tpu.memory_space<vmem>>, %arg3: memref<1x224x224xf32, #tpu.memory_space<vmem>>, %arg4: memref<1x1x32xf32, #tpu.memory_space<vmem>>, %arg5: memref<1x1x32xf32, #tpu.memory_space<vmem>>, %arg6: memref<1x1x32xf32, #tpu.memory_space<vmem>>, %arg7: memref<1x1x1x32xf32, #tpu.memory_space<vmem>>, %arg8: memref<1x1x1x32xf32, #tpu.memory_space<vmem>>) attributes {dimension_semantics = [#tpu.dimension_semantics<arbitrary>, #tpu.dimension_semantics<arbitrary>], iteration_bounds = array<i64: 2, 3>, scalar_prefetch = 0 : i64, scratch_operands = 0 : i64, tpu.core_type = #tpu.core_type<tc>, window_params = [{transform_indices = @transform_0, window_bounds = array<i64: 1, 32, 224, 224>}, {transform_indices = @transform_1, window_bounds = array<i64: 1, 224, 224>}, {transform_indices = @transform_2, window_bounds = array<i64: 1, 1, 32>}, {transform_indices = @transform_3, window_bounds = array<i64: 1, 1, 32>}, {transform_indices = @transform_4, window_bounds = array<i64: 1, 1, 32>}, {transform_indices = @transform_5, window_bounds = array<i64: 1, 1, 1, 32>}, {transform_indices = @transform_6, window_bounds = array<i64: 1, 1, 1, 32>}]} {
    %get3A = arith.constant 0 : index
    %get3A_0 = arith.constant 0 : index
    %get3A_1 = arith.constant 0 : index
    %get3A_2 = arith.constant 0 : index
    %get3A_3 = vector.load %arg2[%get3A, %get3A_0, %get3A_1, %get3A_2] : memref<1x32x224x224xf32, #tpu.memory_space<vmem>>, vector<1x32x224x224xf32>
    %get3A_4 = vector.shape_cast %get3A_3 : vector<1x32x224x224xf32> to vector<32x224x224xf32>
    %get3A_5 = arith.constant 0 : index
    %get3A_6 = arith.constant 0 : index
    %get3A_7 = arith.constant 0 : index
    %get3A_8 = vector.load %arg3[%get3A_5, %get3A_6, %get3A_7] : memref<1x224x224xf32, #tpu.memory_space<vmem>>, vector<1x224x224xf32>
    %get3A_9 = vector.shape_cast %get3A_8 : vector<1x224x224xf32> to vector<224x224xf32>
    %reduce_sum3A = arith.constant dense<0.000000e+00> : vector<32xf32>
    %reduce_sum3A_10 = vector.multi_reduction <add>, %get3A_4, %reduce_sum3A [1, 2] : vector<32x224x224xf32> to vector<32xf32>
    %mul3A = arith.mulf %get3A_4, %get3A_4 : vector<32x224x224xf32>
    %reduce_sum3A_11 = arith.constant dense<0.000000e+00> : vector<32xf32>
    %reduce_sum3A_12 = vector.multi_reduction <add>, %mul3A, %reduce_sum3A_11 [1, 2] : vector<32x224x224xf32> to vector<32xf32>
    %broadcast_in_dim3A = vector.shape_cast %get3A_9 : vector<224x224xf32> to vector<1x224x224xf32>
    %mul3A_13 = vector.broadcast %broadcast_in_dim3A : vector<1x224x224xf32> to vector<32x224x224xf32>
    %mul3A_14 = arith.mulf %get3A_4, %mul3A_13 : vector<32x224x224xf32>
    %reduce_sum3A_15 = arith.constant dense<0.000000e+00> : vector<32xf32>
    %reduce_sum3A_16 = vector.multi_reduction <add>, %mul3A_14, %reduce_sum3A_15 [1, 2] : vector<32x224x224xf32> to vector<32xf32>
    %reduce_sum3A_17 = vector.shape_cast %get3A_9 : vector<224x224xf32> to vector<1x224x224xf32>
    %reduce_sum3A_18 = arith.constant dense<0.000000e+00> : vector<1xf32>
    %reduce_sum3A_19 = vector.multi_reduction <add>, %reduce_sum3A_17, %reduce_sum3A_18 [1, 2] : vector<1x224x224xf32> to vector<1xf32>
    %reduce_sum3A_20 = vector.shape_cast %reduce_sum3A_19 : vector<1xf32> to vector<1x1x1xf32>
    %reduce_sum3A_21 = vector.extract %reduce_sum3A_20[0, 0, 0] : f32 from vector<1x1x1xf32>
    %mul3A_22 = arith.mulf %get3A_9, %get3A_9 : vector<224x224xf32>
    %reduce_sum3A_23 = vector.shape_cast %mul3A_22 : vector<224x224xf32> to vector<1x224x224xf32>
    %reduce_sum3A_24 = arith.constant dense<0.000000e+00> : vector<1xf32>
    %reduce_sum3A_25 = vector.multi_reduction <add>, %reduce_sum3A_23, %reduce_sum3A_24 [1, 2] : vector<1x224x224xf32> to vector<1xf32>
    %reduce_sum3A_26 = vector.shape_cast %reduce_sum3A_25 : vector<1xf32> to vector<1x1x1xf32>
    %reduce_sum3A_27 = vector.extract %reduce_sum3A_26[0, 0, 0] : f32 from vector<1x1x1xf32>
    %get3A_28 = arith.constant 0 : index
    %get3A_29 = arith.constant 0 : index
    %get3A_30 = arith.constant 0 : index
    %get3A_31 = vector.load %arg4[%get3A_28, %get3A_29, %get3A_30] : memref<1x1x32xf32, #tpu.memory_space<vmem>>, vector<1x1x32xf32>
    %get3A_32 = vector.shape_cast %get3A_31 : vector<1x1x32xf32> to vector<32xf32>
    %mul3A_33 = vector.broadcast %reduce_sum3A_21 : f32 to vector<32xf32>
    %mul3A_34 = arith.mulf %get3A_32, %mul3A_33 : vector<32xf32>
    %add3A = arith.addf %reduce_sum3A_10, %mul3A_34 : vector<32xf32>
    %div3A = arith.constant 5.017600e+04 : f32
    %div3A_35 = vector.broadcast %div3A : f32 to vector<32xf32>
    %div3A_36 = arith.divf %add3A, %div3A_35 : vector<32xf32>
    %mul3A_37 = arith.constant 2.000000e+00 : f32
    %mul3A_38 = vector.broadcast %mul3A_37 : f32 to vector<32xf32>
    %mul3A_39 = arith.mulf %mul3A_38, %get3A_32 : vector<32xf32>
    %mul3A_40 = arith.mulf %mul3A_39, %reduce_sum3A_16 : vector<32xf32>
    %add3A_41 = arith.addf %reduce_sum3A_12, %mul3A_40 : vector<32xf32>
    %mul3A_42 = arith.mulf %get3A_32, %get3A_32 : vector<32xf32>
    %mul3A_43 = vector.broadcast %reduce_sum3A_27 : f32 to vector<32xf32>
    %mul3A_44 = arith.mulf %mul3A_42, %mul3A_43 : vector<32xf32>
    %add3A_45 = arith.addf %add3A_41, %mul3A_44 : vector<32xf32>
    %div3A_46 = arith.constant 5.017600e+04 : f32
    %div3A_47 = vector.broadcast %div3A_46 : f32 to vector<32xf32>
    %div3A_48 = arith.divf %add3A_45, %div3A_47 : vector<32xf32>
    %mul3A_49 = arith.mulf %div3A_36, %div3A_36 : vector<32xf32>
    %sub3A = arith.subf %div3A_48, %mul3A_49 : vector<32xf32>
    %add3A_50 = arith.constant 9.99999974E-6 : f32
    %add3A_51 = vector.broadcast %add3A_50 : f32 to vector<32xf32>
    %add3A_52 = arith.addf %sub3A, %add3A_51 : vector<32xf32>
    %sqrt3A = math.sqrt %add3A_52 : vector<32xf32>
    %div3A_53 = arith.constant 1.000000e+00 : f32
    %div3A_54 = vector.broadcast %div3A_53 : f32 to vector<32xf32>
    %div3A_55 = arith.divf %div3A_54, %sqrt3A : vector<32xf32>
    %get3A_56 = arith.constant 0 : index
    %get3A_57 = arith.constant 0 : index
    %get3A_58 = arith.constant 0 : index
    %get3A_59 = vector.load %arg5[%get3A_56, %get3A_57, %get3A_58] : memref<1x1x32xf32, #tpu.memory_space<vmem>>, vector<1x1x32xf32>
    %get3A_60 = vector.shape_cast %get3A_59 : vector<1x1x32xf32> to vector<32xf32>
    %mul3A_61 = arith.mulf %get3A_60, %div3A_55 : vector<32xf32>
    %swap3A = arith.constant 0 : index
    %swap3A_62 = arith.constant 0 : index
    %swap3A_63 = arith.constant 0 : index
    %swap3A_64 = arith.constant 0 : index
    %swap3A_65 = vector.load %arg7[%swap3A, %swap3A_62, %swap3A_63, %swap3A_64] : memref<1x1x1x32xf32, #tpu.memory_space<vmem>>, vector<1x1x1x32xf32>
    %swap3A_66 = vector.shape_cast %swap3A_65 : vector<1x1x1x32xf32> to vector<32xf32>
    %swap3A_67 = vector.shape_cast %mul3A_61 : vector<32xf32> to vector<1x1x1x32xf32>
    tpu.vector_store %arg7[%swap3A, %swap3A_62, %swap3A_63, %swap3A_64], %swap3A_67 {strides = array<i32>} : memref<1x1x1x32xf32, #tpu.memory_space<vmem>>, vector<1x1x1x32xf32>,
    %get3A_68 = arith.constant 0 : index
    %get3A_69 = arith.constant 0 : index
    %get3A_70 = arith.constant 0 : index
    %get3A_71 = vector.load %arg6[%get3A_68, %get3A_69, %get3A_70] : memref<1x1x32xf32, #tpu.memory_space<vmem>>, vector<1x1x32xf32>
    %get3A_72 = vector.shape_cast %get3A_71 : vector<1x1x32xf32> to vector<32xf32>
    %mul3A_73 = arith.mulf %div3A_36, %mul3A_61 : vector<32xf32>
    %sub3A_74 = arith.subf %get3A_72, %mul3A_73 : vector<32xf32>
    %swap3A_75 = arith.constant 0 : index
    %swap3A_76 = arith.constant 0 : index
    %swap3A_77 = arith.constant 0 : index
    %swap3A_78 = arith.constant 0 : index
    %swap3A_79 = vector.load %arg8[%swap3A_75, %swap3A_76, %swap3A_77, %swap3A_78] : memref<1x1x1x32xf32, #tpu.memory_space<vmem>>, vector<1x1x1x32xf32>
    %swap3A_80 = vector.shape_cast %swap3A_79 : vector<1x1x1x32xf32> to vector<32xf32>
    %swap3A_81 = vector.shape_cast %sub3A_74 : vector<32xf32> to vector<1x1x1x32xf32>
    tpu.vector_store %arg8[%swap3A_75, %swap3A_76, %swap3A_77, %swap3A_78], %swap3A_81 {strides = array<i32>} : memref<1x1x1x32xf32, #tpu.memory_space<vmem>>, vector<1x1x1x32xf32>,
    return
  }
  func.func @transform_0(%arg0: i32, %arg1: i32) -> (i32, i32, i32, i32) {
    %c0_i32 = arith.constant 0 : i32
    %c0_i32_0 = arith.constant 0 : i32
    %c0_i32_1 = arith.constant 0 : i32
    return %arg0, %arg1, %c0_i32, %c0_i32_0 : i32, i32, i32, i32
  }
  func.func @transform_1(%arg0: i32, %arg1: i32) -> (i32, i32, i32) {
    %c0_i32 = arith.constant 0 : i32
    %c0_i32_0 = arith.constant 0 : i32
    %c0_i32_1 = arith.constant 0 : i32
    return %arg0, %c0_i32, %c0_i32_0 : i32, i32, i32
  }
  func.func @transform_2(%arg0: i32, %arg1: i32) -> (i32, i32, i32) {
    %c0_i32 = arith.constant 0 : i32
    %c0_i32_0 = arith.constant 0 : i32
    %c0_i32_1 = arith.constant 0 : i32
    return %arg1, %c0_i32, %c0_i32_0 : i32, i32, i32
  }
  func.func @transform_3(%arg0: i32, %arg1: i32) -> (i32, i32, i32) {
    %c0_i32 = arith.constant 0 : i32
    %c0_i32_0 = arith.constant 0 : i32
    %c0_i32_1 = arith.constant 0 : i32
    return %arg1, %c0_i32, %c0_i32_0 : i32, i32, i32
  }
  func.func @transform_4(%arg0: i32, %arg1: i32) -> (i32, i32, i32) {
    %c0_i32 = arith.constant 0 : i32
    %c0_i32_0 = arith.constant 0 : i32
    %c0_i32_1 = arith.constant 0 : i32
    return %arg1, %c0_i32, %c0_i32_0 : i32, i32, i32
  }
  func.func @transform_5(%arg0: i32, %arg1: i32) -> (i32, i32, i32, i32) {
    %c0_i32 = arith.constant 0 : i32
    %c0_i32_0 = arith.constant 0 : i32
    %c0_i32_1 = arith.constant 0 : i32
    return %arg0, %arg1, %c0_i32, %c0_i32_0 : i32, i32, i32, i32
  }
  func.func @transform_6(%arg0: i32, %arg1: i32) -> (i32, i32, i32, i32) {
    %c0_i32 = arith.constant 0 : i32
    %c0_i32_0 = arith.constant 0 : i32
    %c0_i32_1 = arith.constant 0 : i32
    return %arg0, %arg1, %c0_i32, %c0_i32_0 : i32, i32, i32, i32
  }
}

module attributes {stable_mosaic.version = 14 : i64} {
  func.func @_select_kernel(%arg0: i32, %arg1: memref<1x12544x19xf32, #tpu.memory_space<vmem>>, %arg2: memref<1x19x64xf32, #tpu.memory_space<vmem>>, %arg3: memref<1x12544x64xf32, #tpu.memory_space<vmem>>) attributes {dimension_semantics = [#tpu.dimension_semantics<arbitrary>], iteration_bounds = array<i64: 2>, scalar_prefetch = 0 : i64, scratch_operands = 0 : i64, tpu.core_type = #tpu.core_type<tc>, window_params = [{transform_indices = @transform_0, window_bounds = array<i64: 1, 12544, 19>}, {transform_indices = @transform_1, window_bounds = array<i64: 1, 19, 64>}, {transform_indices = @transform_2, window_bounds = array<i64: 1, 12544, 64>}]} {
    %get3A = arith.constant 0 : index
    %get3A_0 = arith.constant 0 : index
    %get3A_1 = arith.constant 0 : index
    %get3A_2 = vector.load %arg1[%get3A, %get3A_0, %get3A_1] : memref<1x12544x19xf32, #tpu.memory_space<vmem>>, vector<1x12544x19xf32>
    %get3A_3 = vector.shape_cast %get3A_2 : vector<1x12544x19xf32> to vector<12544x19xf32>
    %iota3A = tpu.iota {dimensions = array<i32: 1>} : vector<12544x19xi32>
    %ne3A = arith.constant 0.000000e+00 : f32
    %ne3A_4 = vector.broadcast %ne3A : f32 to vector<12544x19xf32>
    %ne3A_5 = arith.cmpf one, %get3A_3, %ne3A_4 : vector<12544x19xf32>
    %jit3A = arith.constant -1 : i32
    %broadcast_in_dim3A = vector.broadcast %jit3A : i32 to vector<12544x19xi32>
    %select_n3A = arith.select %ne3A_5, %iota3A, %broadcast_in_dim3A : vector<12544x19xi1>, vector<12544x19xi32>
    %reduce_max3A = arith.constant dense<-2147483648> : vector<12544xi32>
    %reduce_max3A_6 = vector.multi_reduction <maxsi>, %select_n3A, %reduce_max3A [1] : vector<12544x19xi32> to vector<12544xi32>
    %broadcast_in_dim3A_7 = vector.shape_cast %reduce_max3A_6 : vector<12544xi32> to vector<12544x1xi32>
    %eq3A = vector.broadcast %broadcast_in_dim3A_7 : vector<12544x1xi32> to vector<12544x19xi32>
    %eq3A_8 = arith.cmpi eq, %iota3A, %eq3A : vector<12544x19xi32>
    %convert_element_type3A = arith.extui %eq3A_8 : vector<12544x19xi1> to vector<12544x19xi32>
    %convert_element_type3A_9 = arith.sitofp %convert_element_type3A : vector<12544x19xi32> to vector<12544x19xf32>
    %get3A_10 = arith.constant 0 : index
    %get3A_11 = arith.constant 0 : index
    %get3A_12 = arith.constant 0 : index
    %get3A_13 = vector.load %arg2[%get3A_10, %get3A_11, %get3A_12] : memref<1x19x64xf32, #tpu.memory_space<vmem>>, vector<1x19x64xf32>
    %get3A_14 = vector.shape_cast %get3A_13 : vector<1x19x64xf32> to vector<19x64xf32>
    %dot_general3A = arith.constant dense<0.000000e+00> : vector<12544x64xf32>
    %dot_general3A_15 = tpu.matmul %convert_element_type3A_9, %get3A_14, %dot_general3A {dimension_numbers = #tpu.dot_dimension_numbers<[1], [0], [0], [1], [0, 0, 1, 1], [], []>, transpose_lhs_hint = false} : vector<12544x19xf32>, vector<19x64xf32>, vector<12544x64xf32> -> vector<12544x64xf32>
    %swap3A = arith.constant 0 : index
    %swap3A_16 = arith.constant 0 : index
    %swap3A_17 = arith.constant 0 : index
    %swap3A_18 = vector.load %arg3[%swap3A, %swap3A_16, %swap3A_17] : memref<1x12544x64xf32, #tpu.memory_space<vmem>>, vector<1x12544x64xf32>
    %swap3A_19 = vector.shape_cast %swap3A_18 : vector<1x12544x64xf32> to vector<12544x64xf32>
    %swap3A_20 = vector.shape_cast %dot_general3A_15 : vector<12544x64xf32> to vector<1x12544x64xf32>
    tpu.vector_store %arg3[%swap3A, %swap3A_16, %swap3A_17], %swap3A_20 {strides = array<i32>} : memref<1x12544x64xf32, #tpu.memory_space<vmem>>, vector<1x12544x64xf32>,
    return
  }
  func.func @transform_0(%arg0: i32) -> (i32, i32, i32) {
    %c0_i32 = arith.constant 0 : i32
    %c0_i32_0 = arith.constant 0 : i32
    %c0_i32_1 = arith.constant 0 : i32
    return %arg0, %c0_i32, %c0_i32_0 : i32, i32, i32
  }
  func.func @transform_1(%arg0: i32) -> (i32, i32, i32) {
    %c0_i32 = arith.constant 0 : i32
    %c0_i32_0 = arith.constant 0 : i32
    %c0_i32_1 = arith.constant 0 : i32
    return %arg0, %c0_i32, %c0_i32_0 : i32, i32, i32
  }
  func.func @transform_2(%arg0: i32) -> (i32, i32, i32) {
    %c0_i32 = arith.constant 0 : i32
    %c0_i32_0 = arith.constant 0 : i32
    %c0_i32_1 = arith.constant 0 : i32
    return %arg0, %c0_i32, %c0_i32_0 : i32, i32, i32
  }
}

module attributes {stable_mosaic.version = 14 : i64} {
  func.func @main_kernel(%arg0: i32, %arg1: i32, %arg2: memref<1x1x224x64xf32, #tpu.memory_space<vmem>>, %arg3: memref<1x16x224x64xf32, #tpu.memory_space<vmem>>, %arg4: memref<1x1x224x64xf32, #tpu.memory_space<vmem>>, %arg5: memref<1x2x224x3xf32, #tpu.memory_space<vmem>>, %arg6: memref<1x16x224x3xf32, #tpu.memory_space<vmem>>, %arg7: memref<1x2x224x3xf32, #tpu.memory_space<vmem>>, %arg8: memref<1x16x224x96xf32, #tpu.memory_space<vmem>>, %arg9: memref<1x16x224xf32, #tpu.memory_space<vmem>>, %arg10: memref<1x96xf32, #tpu.memory_space<vmem>>, %arg11: memref<1x1x96xf32, #tpu.memory_space<vmem>>, %arg12: memref<1x1x96xf32, #tpu.memory_space<vmem>>, %arg13: memref<9x64x192xf32, #tpu.memory_space<vmem>>, %arg14: memref<9x128x192xf32, #tpu.memory_space<vmem>>, %arg15: memref<9x3x128xf32, #tpu.memory_space<vmem>>, %arg16: memref<1x128xf32, #tpu.memory_space<vmem>>, %arg17: memref<1x192xf32, #tpu.memory_space<vmem>>, %arg18: memref<1x16x224x96xf32, #tpu.memory_space<vmem>>, %arg19: memref<18x226x64xf32, #tpu.memory_space<vmem>>, %arg20: memref<18x226x128xf32, #tpu.memory_space<vmem>>, %arg21: memref<3584x192xf32, #tpu.memory_space<vmem>>, %arg22: memref<4032x128xf32, #tpu.memory_space<vmem>>) attributes {dimension_semantics = [#tpu.dimension_semantics<arbitrary>, #tpu.dimension_semantics<arbitrary>], iteration_bounds = array<i64: 2, 14>, scalar_prefetch = 0 : i64, scratch_operands = 4 : i64, tpu.core_type = #tpu.core_type<tc>, window_params = [{transform_indices = @transform_0, window_bounds = array<i64: 1, 1, 224, 64>}, {transform_indices = @transform_1, window_bounds = array<i64: 1, 16, 224, 64>}, {transform_indices = @transform_2, window_bounds = array<i64: 1, 1, 224, 64>}, {transform_indices = @transform_3, window_bounds = array<i64: 1, 2, 224, 3>}, {transform_indices = @transform_4, window_bounds = array<i64: 1, 16, 224, 3>}, {transform_indices = @transform_5, window_bounds = array<i64: 1, 2, 224, 3>}, {transform_indices = @transform_6, window_bounds = array<i64: 1, 16, 224, 96>}, {transform_indices = @transform_7, window_bounds = array<i64: 1, 16, 224>}, {pipeline_mode = #tpu.pipeline_mode<synchronous>, transform_indices = @transform_8, window_bounds = array<i64: 1, 96>}, {transform_indices = @transform_9, window_bounds = array<i64: 1, 1, 96>}, {transform_indices = @transform_10, window_bounds = array<i64: 1, 1, 96>}, {pipeline_mode = #tpu.pipeline_mode<synchronous>, transform_indices = @transform_11, window_bounds = array<i64: 9, 64, 192>}, {pipeline_mode = #tpu.pipeline_mode<synchronous>, transform_indices = @transform_12, window_bounds = array<i64: 9, 128, 192>}, {pipeline_mode = #tpu.pipeline_mode<synchronous>, transform_indices = @transform_13, window_bounds = array<i64: 9, 3, 128>}, {pipeline_mode = #tpu.pipeline_mode<synchronous>, transform_indices = @transform_14, window_bounds = array<i64: 1, 128>}, {pipeline_mode = #tpu.pipeline_mode<synchronous>, transform_indices = @transform_15, window_bounds = array<i64: 1, 192>}, {transform_indices = @transform_16, window_bounds = array<i64: 1, 16, 224, 96>}]} {
    %broadcast_in_dim3A = arith.constant 0.000000e+00 : f32
    %broadcast_in_dim3A_0 = vector.broadcast %broadcast_in_dim3A : f32 to vector<18x1x64xf32>
    %swap3A = arith.constant 0 : index
    %swap3A_1 = arith.constant 0 : index
    %swap3A_2 = arith.constant 0 : index
    %swap3A_3 = vector.load %arg19[%swap3A, %swap3A_1, %swap3A_2] : memref<18x226x64xf32, #tpu.memory_space<vmem>>, vector<18x1x64xf32>
    tpu.vector_store %arg19[%swap3A, %swap3A_1, %swap3A_2], %broadcast_in_dim3A_0 {strides = array<i32>} : memref<18x226x64xf32, #tpu.memory_space<vmem>>, vector<18x1x64xf32>,
    %broadcast_in_dim3A_4 = arith.constant 0.000000e+00 : f32
    %broadcast_in_dim3A_5 = vector.broadcast %broadcast_in_dim3A_4 : f32 to vector<18x1x64xf32>
    %swap3A_6 = arith.constant 0 : index
    %swap3A_7 = arith.constant 225 : index
    %swap3A_8 = arith.constant 0 : index
    %swap3A_9 = vector.load %arg19[%swap3A_6, %swap3A_7, %swap3A_8] : memref<18x226x64xf32, #tpu.memory_space<vmem>>, vector<18x1x64xf32>
    tpu.vector_store %arg19[%swap3A_6, %swap3A_7, %swap3A_8], %broadcast_in_dim3A_5 {strides = array<i32>} : memref<18x226x64xf32, #tpu.memory_space<vmem>>, vector<18x1x64xf32>,
    %gt3A = arith.constant 0 : i32
    %gt3A_10 = arith.cmpi sgt, %arg1, %gt3A : i32
    %get3A = arith.constant 0 : index
    %get3A_11 = arith.constant 0 : index
    %get3A_12 = arith.constant 0 : index
    %get3A_13 = arith.constant 0 : index
    %get3A_14 = vector.load %arg2[%get3A, %get3A_11, %get3A_12, %get3A_13] : memref<1x1x224x64xf32, #tpu.memory_space<vmem>>, vector<1x1x224x64xf32>
    %get3A_15 = vector.shape_cast %get3A_14 : vector<1x1x224x64xf32> to vector<1x224x64xf32>
    %broadcast_in_dim3A_16 = arith.constant 0.000000e+00 : f32
    %broadcast_in_dim3A_17 = vector.broadcast %broadcast_in_dim3A_16 : f32 to vector<1x224x64xf32>
    %select_n3A = arith.select %gt3A_10, %get3A_15, %broadcast_in_dim3A_17 : vector<1x224x64xf32>
    %swap3A_18 = arith.constant 0 : index
    %swap3A_19 = arith.constant 1 : index
    %swap3A_20 = arith.constant 0 : index
    %swap3A_21 = vector.load %arg19[%swap3A_18, %swap3A_19, %swap3A_20] : memref<18x226x64xf32, #tpu.memory_space<vmem>>, vector<1x224x64xf32>
    tpu.vector_store %arg19[%swap3A_18, %swap3A_19, %swap3A_20], %select_n3A {strides = array<i32>} : memref<18x226x64xf32, #tpu.memory_space<vmem>>, vector<1x224x64xf32>,
    %get3A_22 = arith.constant 0 : index
    %get3A_23 = arith.constant 0 : index
    %get3A_24 = arith.constant 0 : index
    %get3A_25 = arith.constant 0 : index
    %get3A_26 = vector.load %arg3[%get3A_22, %get3A_23, %get3A_24, %get3A_25] : memref<1x16x224x64xf32, #tpu.memory_space<vmem>>, vector<1x16x224x64xf32>
    %get3A_27 = vector.shape_cast %get3A_26 : vector<1x16x224x64xf32> to vector<16x224x64xf32>
    %swap3A_28 = arith.constant 1 : index
    %swap3A_29 = arith.constant 1 : index
    %swap3A_30 = arith.constant 0 : index
    %swap3A_31 = vector.load %arg19[%swap3A_28, %swap3A_29, %swap3A_30] : memref<18x226x64xf32, #tpu.memory_space<vmem>>, vector<16x224x64xf32>
    tpu.vector_store %arg19[%swap3A_28, %swap3A_29, %swap3A_30], %get3A_27 {strides = array<i32>} : memref<18x226x64xf32, #tpu.memory_space<vmem>>, vector<16x224x64xf32>,
    %lt3A = arith.constant 13 : i32
    %lt3A_32 = arith.cmpi slt, %arg1, %lt3A : i32
    %get3A_33 = arith.constant 0 : index
    %get3A_34 = arith.constant 0 : index
    %get3A_35 = arith.constant 0 : index
    %get3A_36 = arith.constant 0 : index
    %get3A_37 = vector.load %arg4[%get3A_33, %get3A_34, %get3A_35, %get3A_36] : memref<1x1x224x64xf32, #tpu.memory_space<vmem>>, vector<1x1x224x64xf32>
    %get3A_38 = vector.shape_cast %get3A_37 : vector<1x1x224x64xf32> to vector<1x224x64xf32>
    %broadcast_in_dim3A_39 = arith.constant 0.000000e+00 : f32
    %broadcast_in_dim3A_40 = vector.broadcast %broadcast_in_dim3A_39 : f32 to vector<1x224x64xf32>
    %select_n3A_41 = arith.select %lt3A_32, %get3A_38, %broadcast_in_dim3A_40 : vector<1x224x64xf32>
    %swap3A_42 = arith.constant 17 : index
    %swap3A_43 = arith.constant 1 : index
    %swap3A_44 = arith.constant 0 : index
    %swap3A_45 = vector.load %arg19[%swap3A_42, %swap3A_43, %swap3A_44] : memref<18x226x64xf32, #tpu.memory_space<vmem>>, vector<1x224x64xf32>
    tpu.vector_store %arg19[%swap3A_42, %swap3A_43, %swap3A_44], %select_n3A_41 {strides = array<i32>} : memref<18x226x64xf32, #tpu.memory_space<vmem>>, vector<1x224x64xf32>,
    %gt3A_46 = arith.constant 0 : i32
    %gt3A_47 = arith.cmpi sgt, %arg1, %gt3A_46 : i32
    %get3A_48 = arith.constant 0 : index
    %get3A_49 = arith.constant 0 : index
    %get3A_50 = arith.constant 0 : index
    %get3A_51 = arith.constant 0 : index
    %get3A_52 = vector.load %arg5[%get3A_48, %get3A_49, %get3A_50, %get3A_51] : memref<1x2x224x3xf32, #tpu.memory_space<vmem>>, vector<1x2x224x3xf32>
    %get3A_53 = vector.shape_cast %get3A_52 : vector<1x2x224x3xf32> to vector<2x224x3xf32>
    %broadcast_in_dim3A_54 = arith.constant 0.000000e+00 : f32
    %broadcast_in_dim3A_55 = vector.broadcast %broadcast_in_dim3A_54 : f32 to vector<2x224x3xf32>
    %select_n3A_56 = arith.select %gt3A_47, %get3A_53, %broadcast_in_dim3A_55 : vector<2x224x3xf32>
    %lt3A_57 = arith.constant 13 : i32
    %lt3A_58 = arith.cmpi slt, %arg1, %lt3A_57 : i32
    %get3A_59 = arith.constant 0 : index
    %get3A_60 = arith.constant 0 : index
    %get3A_61 = arith.constant 0 : index
    %get3A_62 = arith.constant 0 : index
    %get3A_63 = vector.load %arg7[%get3A_59, %get3A_60, %get3A_61, %get3A_62] : memref<1x2x224x3xf32, #tpu.memory_space<vmem>>, vector<1x2x224x3xf32>
    %get3A_64 = vector.shape_cast %get3A_63 : vector<1x2x224x3xf32> to vector<2x224x3xf32>
    %broadcast_in_dim3A_65 = arith.constant 0.000000e+00 : f32
    %broadcast_in_dim3A_66 = vector.broadcast %broadcast_in_dim3A_65 : f32 to vector<2x224x3xf32>
    %select_n3A_67 = arith.select %lt3A_58, %get3A_64, %broadcast_in_dim3A_66 : vector<2x224x3xf32>
    %get3A_68 = arith.constant 0 : index
    %get3A_69 = arith.constant 0 : index
    %get3A_70 = arith.constant 0 : index
    %get3A_71 = arith.constant 0 : index
    %get3A_72 = vector.load %arg6[%get3A_68, %get3A_69, %get3A_70, %get3A_71] : memref<1x16x224x3xf32, #tpu.memory_space<vmem>>, vector<1x16x224x3xf32>
    %get3A_73 = vector.shape_cast %get3A_72 : vector<1x16x224x3xf32> to vector<16x224x3xf32>
    %concatenate3A = tpu.concatenate %select_n3A_56, %get3A_73, %select_n3A_67 in 0 : vector<2x224x3xf32>, vector<16x224x3xf32>, vector<2x224x3xf32> -> vector<20x224x3xf32>
    %broadcast_in_dim3A_74 = arith.constant 0.000000e+00 : f32
    %broadcast_in_dim3A_75 = vector.broadcast %broadcast_in_dim3A_74 : f32 to vector<20x1x3xf32>
    %concatenate3A_76 = tpu.concatenate %broadcast_in_dim3A_75, %concatenate3A, %broadcast_in_dim3A_75 in 1 : vector<20x1x3xf32>, vector<20x224x3xf32>, vector<20x1x3xf32> -> vector<20x226x3xf32>
    %get3A_77 = arith.constant 0 : index
    %get3A_78 = arith.constant 0 : index
    %get3A_79 = vector.load %arg16[%get3A_77, %get3A_78] : memref<1x128xf32, #tpu.memory_space<vmem>>, vector<1x128xf32>
    %broadcast_in_dim3A_80 = vector.shape_cast %get3A_79 : vector<1x128xf32> to vector<1x128xf32>
    %broadcast_in_dim3A_81 = vector.broadcast %broadcast_in_dim3A_80 : vector<1x128xf32> to vector<4032x128xf32>
    %swap3A_82 = arith.constant 0 : index
    %swap3A_83 = arith.constant 0 : index
    %swap3A_84 = vector.load %arg22[%swap3A_82, %swap3A_83] : memref<4032x128xf32, #tpu.memory_space<vmem>>, vector<4032x128xf32>
    tpu.vector_store %arg22[%swap3A_82, %swap3A_83], %broadcast_in_dim3A_81 {strides = array<i32>} : memref<4032x128xf32, #tpu.memory_space<vmem>>, vector<4032x128xf32>,
    %slice3A = vector.extract_strided_slice %concatenate3A_76 {offsets = [0, 0, 0], sizes = [18, 224, 3], strides = [1, 1, 1]} : vector<20x226x3xf32> to vector<18x224x3xf32>
    %reshape3A = vector.shape_cast %slice3A : vector<18x224x3xf32> to vector<4032x3xf32>
    %get3A_85 = arith.constant 0 : index
    %get3A_86 = arith.constant 0 : index
    %get3A_87 = vector.load %arg22[%get3A_85, %get3A_86] : memref<4032x128xf32, #tpu.memory_space<vmem>>, vector<4032x128xf32>
    %get3A_88 = arith.constant 0 : index
    %get3A_89 = arith.constant 0 : index
    %get3A_90 = arith.constant 0 : index
    %get3A_91 = vector.load %arg15[%get3A_88, %get3A_89, %get3A_90] : memref<9x3x128xf32, #tpu.memory_space<vmem>>, vector<1x3x128xf32>
    %get3A_92 = vector.shape_cast %get3A_91 : vector<1x3x128xf32> to vector<3x128xf32>
    %dot_general3A = arith.constant dense<0.000000e+00> : vector<4032x128xf32>
    %dot_general3A_93 = tpu.matmul %reshape3A, %get3A_92, %dot_general3A {dimension_numbers = #tpu.dot_dimension_numbers<[1], [0], [0], [1], [0, 0, 1, 1], [], []>, transpose_lhs_hint = false} : vector<4032x3xf32>, vector<3x128xf32>, vector<4032x128xf32> -> vector<4032x128xf32>
    %add3A = arith.addf %get3A_87, %dot_general3A_93 : vector<4032x128xf32>
    %swap3A_94 = arith.constant 0 : index
    %swap3A_95 = arith.constant 0 : index
    %swap3A_96 = vector.load %arg22[%swap3A_94, %swap3A_95] : memref<4032x128xf32, #tpu.memory_space<vmem>>, vector<4032x128xf32>
    tpu.vector_store %arg22[%swap3A_94, %swap3A_95], %add3A {strides = array<i32>} : memref<4032x128xf32, #tpu.memory_space<vmem>>, vector<4032x128xf32>,
    %slice3A_97 = vector.extract_strided_slice %concatenate3A_76 {offsets = [0, 1, 0], sizes = [18, 224, 3], strides = [1, 1, 1]} : vector<20x226x3xf32> to vector<18x224x3xf32>
    %reshape3A_98 = vector.shape_cast %slice3A_97 : vector<18x224x3xf32> to vector<4032x3xf32>
    %get3A_99 = arith.constant 0 : index
    %get3A_100 = arith.constant 0 : index
    %get3A_101 = vector.load %arg22[%get3A_99, %get3A_100] : memref<4032x128xf32, #tpu.memory_space<vmem>>, vector<4032x128xf32>
    %get3A_102 = arith.constant 1 : index
    %get3A_103 = arith.constant 0 : index
    %get3A_104 = arith.constant 0 : index
    %get3A_105 = vector.load %arg15[%get3A_102, %get3A_103, %get3A_104] : memref<9x3x128xf32, #tpu.memory_space<vmem>>, vector<1x3x128xf32>
    %get3A_106 = vector.shape_cast %get3A_105 : vector<1x3x128xf32> to vector<3x128xf32>
    %dot_general3A_107 = arith.constant dense<0.000000e+00> : vector<4032x128xf32>
    %dot_general3A_108 = tpu.matmul %reshape3A_98, %get3A_106, %dot_general3A_107 {dimension_numbers = #tpu.dot_dimension_numbers<[1], [0], [0], [1], [0, 0, 1, 1], [], []>, transpose_lhs_hint = false} : vector<4032x3xf32>, vector<3x128xf32>, vector<4032x128xf32> -> vector<4032x128xf32>
    %add3A_109 = arith.addf %get3A_101, %dot_general3A_108 : vector<4032x128xf32>
    %swap3A_110 = arith.constant 0 : index
    %swap3A_111 = arith.constant 0 : index
    %swap3A_112 = vector.load %arg22[%swap3A_110, %swap3A_111] : memref<4032x128xf32, #tpu.memory_space<vmem>>, vector<4032x128xf32>
    tpu.vector_store %arg22[%swap3A_110, %swap3A_111], %add3A_109 {strides = array<i32>} : memref<4032x128xf32, #tpu.memory_space<vmem>>, vector<4032x128xf32>,
    %slice3A_113 = vector.extract_strided_slice %concatenate3A_76 {offsets = [0, 2, 0], sizes = [18, 224, 3], strides = [1, 1, 1]} : vector<20x226x3xf32> to vector<18x224x3xf32>
    %reshape3A_114 = vector.shape_cast %slice3A_113 : vector<18x224x3xf32> to vector<4032x3xf32>
    %get3A_115 = arith.constant 0 : index
    %get3A_116 = arith.constant 0 : index
    %get3A_117 = vector.load %arg22[%get3A_115, %get3A_116] : memref<4032x128xf32, #tpu.memory_space<vmem>>, vector<4032x128xf32>
    %get3A_118 = arith.constant 2 : index
    %get3A_119 = arith.constant 0 : index
    %get3A_120 = arith.constant 0 : index
    %get3A_121 = vector.load %arg15[%get3A_118, %get3A_119, %get3A_120] : memref<9x3x128xf32, #tpu.memory_space<vmem>>, vector<1x3x128xf32>
    %get3A_122 = vector.shape_cast %get3A_121 : vector<1x3x128xf32> to vector<3x128xf32>
    %dot_general3A_123 = arith.constant dense<0.000000e+00> : vector<4032x128xf32>
    %dot_general3A_124 = tpu.matmul %reshape3A_114, %get3A_122, %dot_general3A_123 {dimension_numbers = #tpu.dot_dimension_numbers<[1], [0], [0], [1], [0, 0, 1, 1], [], []>, transpose_lhs_hint = false} : vector<4032x3xf32>, vector<3x128xf32>, vector<4032x128xf32> -> vector<4032x128xf32>
    %add3A_125 = arith.addf %get3A_117, %dot_general3A_124 : vector<4032x128xf32>
    %swap3A_126 = arith.constant 0 : index
    %swap3A_127 = arith.constant 0 : index
    %swap3A_128 = vector.load %arg22[%swap3A_126, %swap3A_127] : memref<4032x128xf32, #tpu.memory_space<vmem>>, vector<4032x128xf32>
    tpu.vector_store %arg22[%swap3A_126, %swap3A_127], %add3A_125 {strides = array<i32>} : memref<4032x128xf32, #tpu.memory_space<vmem>>, vector<4032x128xf32>,
    %slice3A_129 = vector.extract_strided_slice %concatenate3A_76 {offsets = [1, 0, 0], sizes = [18, 224, 3], strides = [1, 1, 1]} : vector<20x226x3xf32> to vector<18x224x3xf32>
    %reshape3A_130 = vector.shape_cast %slice3A_129 : vector<18x224x3xf32> to vector<4032x3xf32>
    %get3A_131 = arith.constant 0 : index
    %get3A_132 = arith.constant 0 : index
    %get3A_133 = vector.load %arg22[%get3A_131, %get3A_132] : memref<4032x128xf32, #tpu.memory_space<vmem>>, vector<4032x128xf32>
    %get3A_134 = arith.constant 3 : index
    %get3A_135 = arith.constant 0 : index
    %get3A_136 = arith.constant 0 : index
    %get3A_137 = vector.load %arg15[%get3A_134, %get3A_135, %get3A_136] : memref<9x3x128xf32, #tpu.memory_space<vmem>>, vector<1x3x128xf32>
    %get3A_138 = vector.shape_cast %get3A_137 : vector<1x3x128xf32> to vector<3x128xf32>
    %dot_general3A_139 = arith.constant dense<0.000000e+00> : vector<4032x128xf32>
    %dot_general3A_140 = tpu.matmul %reshape3A_130, %get3A_138, %dot_general3A_139 {dimension_numbers = #tpu.dot_dimension_numbers<[1], [0], [0], [1], [0, 0, 1, 1], [], []>, transpose_lhs_hint = false} : vector<4032x3xf32>, vector<3x128xf32>, vector<4032x128xf32> -> vector<4032x128xf32>
    %add3A_141 = arith.addf %get3A_133, %dot_general3A_140 : vector<4032x128xf32>
    %swap3A_142 = arith.constant 0 : index
    %swap3A_143 = arith.constant 0 : index
    %swap3A_144 = vector.load %arg22[%swap3A_142, %swap3A_143] : memref<4032x128xf32, #tpu.memory_space<vmem>>, vector<4032x128xf32>
    tpu.vector_store %arg22[%swap3A_142, %swap3A_143], %add3A_141 {strides = array<i32>} : memref<4032x128xf32, #tpu.memory_space<vmem>>, vector<4032x128xf32>,
    %slice3A_145 = vector.extract_strided_slice %concatenate3A_76 {offsets = [1, 1, 0], sizes = [18, 224, 3], strides = [1, 1, 1]} : vector<20x226x3xf32> to vector<18x224x3xf32>
    %reshape3A_146 = vector.shape_cast %slice3A_145 : vector<18x224x3xf32> to vector<4032x3xf32>
    %get3A_147 = arith.constant 0 : index
    %get3A_148 = arith.constant 0 : index
    %get3A_149 = vector.load %arg22[%get3A_147, %get3A_148] : memref<4032x128xf32, #tpu.memory_space<vmem>>, vector<4032x128xf32>
    %get3A_150 = arith.constant 4 : index
    %get3A_151 = arith.constant 0 : index
    %get3A_152 = arith.constant 0 : index
    %get3A_153 = vector.load %arg15[%get3A_150, %get3A_151, %get3A_152] : memref<9x3x128xf32, #tpu.memory_space<vmem>>, vector<1x3x128xf32>
    %get3A_154 = vector.shape_cast %get3A_153 : vector<1x3x128xf32> to vector<3x128xf32>
    %dot_general3A_155 = arith.constant dense<0.000000e+00> : vector<4032x128xf32>
    %dot_general3A_156 = tpu.matmul %reshape3A_146, %get3A_154, %dot_general3A_155 {dimension_numbers = #tpu.dot_dimension_numbers<[1], [0], [0], [1], [0, 0, 1, 1], [], []>, transpose_lhs_hint = false} : vector<4032x3xf32>, vector<3x128xf32>, vector<4032x128xf32> -> vector<4032x128xf32>
    %add3A_157 = arith.addf %get3A_149, %dot_general3A_156 : vector<4032x128xf32>
    %swap3A_158 = arith.constant 0 : index
    %swap3A_159 = arith.constant 0 : index
    %swap3A_160 = vector.load %arg22[%swap3A_158, %swap3A_159] : memref<4032x128xf32, #tpu.memory_space<vmem>>, vector<4032x128xf32>
    tpu.vector_store %arg22[%swap3A_158, %swap3A_159], %add3A_157 {strides = array<i32>} : memref<4032x128xf32, #tpu.memory_space<vmem>>, vector<4032x128xf32>,
    %slice3A_161 = vector.extract_strided_slice %concatenate3A_76 {offsets = [1, 2, 0], sizes = [18, 224, 3], strides = [1, 1, 1]} : vector<20x226x3xf32> to vector<18x224x3xf32>
    %reshape3A_162 = vector.shape_cast %slice3A_161 : vector<18x224x3xf32> to vector<4032x3xf32>
    %get3A_163 = arith.constant 0 : index
    %get3A_164 = arith.constant 0 : index
    %get3A_165 = vector.load %arg22[%get3A_163, %get3A_164] : memref<4032x128xf32, #tpu.memory_space<vmem>>, vector<4032x128xf32>
    %get3A_166 = arith.constant 5 : index
    %get3A_167 = arith.constant 0 : index
    %get3A_168 = arith.constant 0 : index
    %get3A_169 = vector.load %arg15[%get3A_166, %get3A_167, %get3A_168] : memref<9x3x128xf32, #tpu.memory_space<vmem>>, vector<1x3x128xf32>
    %get3A_170 = vector.shape_cast %get3A_169 : vector<1x3x128xf32> to vector<3x128xf32>
    %dot_general3A_171 = arith.constant dense<0.000000e+00> : vector<4032x128xf32>
    %dot_general3A_172 = tpu.matmul %reshape3A_162, %get3A_170, %dot_general3A_171 {dimension_numbers = #tpu.dot_dimension_numbers<[1], [0], [0], [1], [0, 0, 1, 1], [], []>, transpose_lhs_hint = false} : vector<4032x3xf32>, vector<3x128xf32>, vector<4032x128xf32> -> vector<4032x128xf32>
    %add3A_173 = arith.addf %get3A_165, %dot_general3A_172 : vector<4032x128xf32>
    %swap3A_174 = arith.constant 0 : index
    %swap3A_175 = arith.constant 0 : index
    %swap3A_176 = vector.load %arg22[%swap3A_174, %swap3A_175] : memref<4032x128xf32, #tpu.memory_space<vmem>>, vector<4032x128xf32>
    tpu.vector_store %arg22[%swap3A_174, %swap3A_175], %add3A_173 {strides = array<i32>} : memref<4032x128xf32, #tpu.memory_space<vmem>>, vector<4032x128xf32>,
    %slice3A_177 = vector.extract_strided_slice %concatenate3A_76 {offsets = [2, 0, 0], sizes = [18, 224, 3], strides = [1, 1, 1]} : vector<20x226x3xf32> to vector<18x224x3xf32>
    %reshape3A_178 = vector.shape_cast %slice3A_177 : vector<18x224x3xf32> to vector<4032x3xf32>
    %get3A_179 = arith.constant 0 : index
    %get3A_180 = arith.constant 0 : index
    %get3A_181 = vector.load %arg22[%get3A_179, %get3A_180] : memref<4032x128xf32, #tpu.memory_space<vmem>>, vector<4032x128xf32>
    %get3A_182 = arith.constant 6 : index
    %get3A_183 = arith.constant 0 : index
    %get3A_184 = arith.constant 0 : index
    %get3A_185 = vector.load %arg15[%get3A_182, %get3A_183, %get3A_184] : memref<9x3x128xf32, #tpu.memory_space<vmem>>, vector<1x3x128xf32>
    %get3A_186 = vector.shape_cast %get3A_185 : vector<1x3x128xf32> to vector<3x128xf32>
    %dot_general3A_187 = arith.constant dense<0.000000e+00> : vector<4032x128xf32>
    %dot_general3A_188 = tpu.matmul %reshape3A_178, %get3A_186, %dot_general3A_187 {dimension_numbers = #tpu.dot_dimension_numbers<[1], [0], [0], [1], [0, 0, 1, 1], [], []>, transpose_lhs_hint = false} : vector<4032x3xf32>, vector<3x128xf32>, vector<4032x128xf32> -> vector<4032x128xf32>
    %add3A_189 = arith.addf %get3A_181, %dot_general3A_188 : vector<4032x128xf32>
    %swap3A_190 = arith.constant 0 : index
    %swap3A_191 = arith.constant 0 : index
    %swap3A_192 = vector.load %arg22[%swap3A_190, %swap3A_191] : memref<4032x128xf32, #tpu.memory_space<vmem>>, vector<4032x128xf32>
    tpu.vector_store %arg22[%swap3A_190, %swap3A_191], %add3A_189 {strides = array<i32>} : memref<4032x128xf32, #tpu.memory_space<vmem>>, vector<4032x128xf32>,
    %slice3A_193 = vector.extract_strided_slice %concatenate3A_76 {offsets = [2, 1, 0], sizes = [18, 224, 3], strides = [1, 1, 1]} : vector<20x226x3xf32> to vector<18x224x3xf32>
    %reshape3A_194 = vector.shape_cast %slice3A_193 : vector<18x224x3xf32> to vector<4032x3xf32>
    %get3A_195 = arith.constant 0 : index
    %get3A_196 = arith.constant 0 : index
    %get3A_197 = vector.load %arg22[%get3A_195, %get3A_196] : memref<4032x128xf32, #tpu.memory_space<vmem>>, vector<4032x128xf32>
    %get3A_198 = arith.constant 7 : index
    %get3A_199 = arith.constant 0 : index
    %get3A_200 = arith.constant 0 : index
    %get3A_201 = vector.load %arg15[%get3A_198, %get3A_199, %get3A_200] : memref<9x3x128xf32, #tpu.memory_space<vmem>>, vector<1x3x128xf32>
    %get3A_202 = vector.shape_cast %get3A_201 : vector<1x3x128xf32> to vector<3x128xf32>
    %dot_general3A_203 = arith.constant dense<0.000000e+00> : vector<4032x128xf32>
    %dot_general3A_204 = tpu.matmul %reshape3A_194, %get3A_202, %dot_general3A_203 {dimension_numbers = #tpu.dot_dimension_numbers<[1], [0], [0], [1], [0, 0, 1, 1], [], []>, transpose_lhs_hint = false} : vector<4032x3xf32>, vector<3x128xf32>, vector<4032x128xf32> -> vector<4032x128xf32>
    %add3A_205 = arith.addf %get3A_197, %dot_general3A_204 : vector<4032x128xf32>
    %swap3A_206 = arith.constant 0 : index
    %swap3A_207 = arith.constant 0 : index
    %swap3A_208 = vector.load %arg22[%swap3A_206, %swap3A_207] : memref<4032x128xf32, #tpu.memory_space<vmem>>, vector<4032x128xf32>
    tpu.vector_store %arg22[%swap3A_206, %swap3A_207], %add3A_205 {strides = array<i32>} : memref<4032x128xf32, #tpu.memory_space<vmem>>, vector<4032x128xf32>,
    %slice3A_209 = vector.extract_strided_slice %concatenate3A_76 {offsets = [2, 2, 0], sizes = [18, 224, 3], strides = [1, 1, 1]} : vector<20x226x3xf32> to vector<18x224x3xf32>
    %reshape3A_210 = vector.shape_cast %slice3A_209 : vector<18x224x3xf32> to vector<4032x3xf32>
    %get3A_211 = arith.constant 0 : index
    %get3A_212 = arith.constant 0 : index
    %get3A_213 = vector.load %arg22[%get3A_211, %get3A_212] : memref<4032x128xf32, #tpu.memory_space<vmem>>, vector<4032x128xf32>
    %get3A_214 = arith.constant 8 : index
    %get3A_215 = arith.constant 0 : index
    %get3A_216 = arith.constant 0 : index
    %get3A_217 = vector.load %arg15[%get3A_214, %get3A_215, %get3A_216] : memref<9x3x128xf32, #tpu.memory_space<vmem>>, vector<1x3x128xf32>
    %get3A_218 = vector.shape_cast %get3A_217 : vector<1x3x128xf32> to vector<3x128xf32>
    %dot_general3A_219 = arith.constant dense<0.000000e+00> : vector<4032x128xf32>
    %dot_general3A_220 = tpu.matmul %reshape3A_210, %get3A_218, %dot_general3A_219 {dimension_numbers = #tpu.dot_dimension_numbers<[1], [0], [0], [1], [0, 0, 1, 1], [], []>, transpose_lhs_hint = false} : vector<4032x3xf32>, vector<3x128xf32>, vector<4032x128xf32> -> vector<4032x128xf32>
    %add3A_221 = arith.addf %get3A_213, %dot_general3A_220 : vector<4032x128xf32>
    %swap3A_222 = arith.constant 0 : index
    %swap3A_223 = arith.constant 0 : index
    %swap3A_224 = vector.load %arg22[%swap3A_222, %swap3A_223] : memref<4032x128xf32, #tpu.memory_space<vmem>>, vector<4032x128xf32>
    tpu.vector_store %arg22[%swap3A_222, %swap3A_223], %add3A_221 {strides = array<i32>} : memref<4032x128xf32, #tpu.memory_space<vmem>>, vector<4032x128xf32>,
    %get3A_225 = arith.constant 0 : index
    %get3A_226 = arith.constant 0 : index
    %get3A_227 = vector.load %arg22[%get3A_225, %get3A_226] : memref<4032x128xf32, #tpu.memory_space<vmem>>, vector<4032x128xf32>
    %ge3A = arith.constant 0.000000e+00 : f32
    %ge3A_228 = vector.broadcast %ge3A : f32 to vector<4032x128xf32>
    %ge3A_229 = arith.cmpf oge, %get3A_227, %ge3A_228 : vector<4032x128xf32>
    %mul3A = arith.constant 2.000000e-01 : f32
    %mul3A_230 = vector.broadcast %mul3A : f32 to vector<4032x128xf32>
    %mul3A_231 = arith.mulf %mul3A_230, %get3A_227 : vector<4032x128xf32>
    %select_n3A_232 = arith.select %ge3A_229, %get3A_227, %mul3A_231 : vector<4032x128xi1>, vector<4032x128xf32>
    %reshape3A_233 = vector.shape_cast %select_n3A_232 : vector<4032x128xf32> to vector<18x224x128xf32>
    %iota3A = tpu.iota {dimensions = array<i32: 0>} : vector<18x1x1xi32>
    %eq3A = arith.constant 0 : i32
    %eq3A_234 = vector.broadcast %eq3A : i32 to vector<18x1x1xi32>
    %eq3A_235 = arith.cmpi eq, %iota3A, %eq3A_234 : vector<18x1x1xi32>
    %eq3A_236 = arith.constant 0 : i32
    %eq3A_237 = arith.cmpi eq, %arg1, %eq3A_236 : i32
    %and3A = vector.broadcast %eq3A_237 : i1 to vector<18x1x1xi1>
    %and3A_238 = arith.andi %eq3A_235, %and3A : vector<18x1x1xi1>
    %eq3A_239 = arith.constant 17 : i32
    %eq3A_240 = vector.broadcast %eq3A_239 : i32 to vector<18x1x1xi32>
    %eq3A_241 = arith.cmpi eq, %iota3A, %eq3A_240 : vector<18x1x1xi32>
    %eq3A_242 = arith.constant 13 : i32
    %eq3A_243 = arith.cmpi eq, %arg1, %eq3A_242 : i32
    %and3A_244 = vector.broadcast %eq3A_243 : i1 to vector<18x1x1xi1>
    %and3A_245 = arith.andi %eq3A_241, %and3A_244 : vector<18x1x1xi1>
    %or3A = arith.ori %and3A_238, %and3A_245 : vector<18x1x1xi1>
    %broadcast_in_dim3A_246 = arith.constant 0.000000e+00 : f32
    %broadcast_in_dim3A_247 = vector.broadcast %broadcast_in_dim3A_246 : f32 to vector<18x1x128xf32>
    %swap3A_248 = arith.constant 0 : index
    %swap3A_249 = arith.constant 0 : index
    %swap3A_250 = arith.constant 0 : index
    %swap3A_251 = vector.load %arg20[%swap3A_248, %swap3A_249, %swap3A_250] : memref<18x226x128xf32, #tpu.memory_space<vmem>>, vector<18x1x128xf32>
    tpu.vector_store %arg20[%swap3A_248, %swap3A_249, %swap3A_250], %broadcast_in_dim3A_247 {strides = array<i32>} : memref<18x226x128xf32, #tpu.memory_space<vmem>>, vector<18x1x128xf32>,
    %broadcast_in_dim3A_252 = arith.constant 0.000000e+00 : f32
    %broadcast_in_dim3A_253 = vector.broadcast %broadcast_in_dim3A_252 : f32 to vector<18x1x128xf32>
    %swap3A_254 = arith.constant 0 : index
    %swap3A_255 = arith.constant 225 : index
    %swap3A_256 = arith.constant 0 : index
    %swap3A_257 = vector.load %arg20[%swap3A_254, %swap3A_255, %swap3A_256] : memref<18x226x128xf32, #tpu.memory_space<vmem>>, vector<18x1x128xf32>
    tpu.vector_store %arg20[%swap3A_254, %swap3A_255, %swap3A_256], %broadcast_in_dim3A_253 {strides = array<i32>} : memref<18x226x128xf32, #tpu.memory_space<vmem>>, vector<18x1x128xf32>,
    %jit3A = arith.constant 0.000000e+00 : f32
    %broadcast_in_dim3A_258 = vector.shape_cast %or3A : vector<18x1x1xi1> to vector<18x1x1xi1>
    %broadcast_in_dim3A_259 = vector.broadcast %broadcast_in_dim3A_258 : vector<18x1x1xi1> to vector<18x224x128xi1>
    %broadcast_in_dim3A_260 = vector.broadcast %jit3A : f32 to vector<18x224x128xf32>
    %select_n3A_261 = arith.select %broadcast_in_dim3A_259, %broadcast_in_dim3A_260, %reshape3A_233 : vector<18x224x128xi1>, vector<18x224x128xf32>
    %swap3A_262 = arith.constant 0 : index
    %swap3A_263 = arith.constant 1 : index
    %swap3A_264 = arith.constant 0 : index
    %swap3A_265 = vector.load %arg20[%swap3A_262, %swap3A_263, %swap3A_264] : memref<18x226x128xf32, #tpu.memory_space<vmem>>, vector<18x224x128xf32>
    tpu.vector_store %arg20[%swap3A_262, %swap3A_263, %swap3A_264], %select_n3A_261 {strides = array<i32>} : memref<18x226x128xf32, #tpu.memory_space<vmem>>, vector<18x224x128xf32>,
    %get3A_266 = arith.constant 0 : index
    %get3A_267 = arith.constant 0 : index
    %get3A_268 = vector.load %arg17[%get3A_266, %get3A_267] : memref<1x192xf32, #tpu.memory_space<vmem>>, vector<1x192xf32>
    %broadcast_in_dim3A_269 = vector.shape_cast %get3A_268 : vector<1x192xf32> to vector<1x192xf32>
    %broadcast_in_dim3A_270 = vector.broadcast %broadcast_in_dim3A_269 : vector<1x192xf32> to vector<3584x192xf32>
    %swap3A_271 = arith.constant 0 : index
    %swap3A_272 = arith.constant 0 : index
    %swap3A_273 = vector.load %arg21[%swap3A_271, %swap3A_272] : memref<3584x192xf32, #tpu.memory_space<vmem>>, vector<3584x192xf32>
    tpu.vector_store %arg21[%swap3A_271, %swap3A_272], %broadcast_in_dim3A_270 {strides = array<i32>} : memref<3584x192xf32, #tpu.memory_space<vmem>>, vector<3584x192xf32>,
    %get3A_274 = arith.constant 0 : index
    %get3A_275 = arith.constant 0 : index
    %get3A_276 = arith.constant 0 : index
    %get3A_277 = vector.load %arg19[%get3A_274, %get3A_275, %get3A_276] : memref<18x226x64xf32, #tpu.memory_space<vmem>>, vector<16x224x64xf32>
    %reshape3A_278 = vector.shape_cast %get3A_277 : vector<16x224x64xf32> to vector<3584x64xf32>
    %get3A_279 = arith.constant 0 : index
    %get3A_280 = arith.constant 0 : index
    %get3A_281 = vector.load %arg21[%get3A_279, %get3A_280] : memref<3584x192xf32, #tpu.memory_space<vmem>>, vector<3584x192xf32>
    %get3A_282 = arith.constant 0 : index
    %get3A_283 = arith.constant 0 : index
    %get3A_284 = arith.constant 0 : index
    %get3A_285 = vector.load %arg13[%get3A_282, %get3A_283, %get3A_284] : memref<9x64x192xf32, #tpu.memory_space<vmem>>, vector<1x64x192xf32>
    %get3A_286 = vector.shape_cast %get3A_285 : vector<1x64x192xf32> to vector<64x192xf32>
    %dot_general3A_287 = arith.constant dense<0.000000e+00> : vector<3584x192xf32>
    %dot_general3A_288 = tpu.matmul %reshape3A_278, %get3A_286, %dot_general3A_287 {dimension_numbers = #tpu.dot_dimension_numbers<[1], [0], [0], [1], [0, 0, 1, 1], [], []>, transpose_lhs_hint = false} : vector<3584x64xf32>, vector<64x192xf32>, vector<3584x192xf32> -> vector<3584x192xf32>
    %add3A_289 = arith.addf %get3A_281, %dot_general3A_288 : vector<3584x192xf32>
    %swap3A_290 = arith.constant 0 : index
    %swap3A_291 = arith.constant 0 : index
    %swap3A_292 = vector.load %arg21[%swap3A_290, %swap3A_291] : memref<3584x192xf32, #tpu.memory_space<vmem>>, vector<3584x192xf32>
    tpu.vector_store %arg21[%swap3A_290, %swap3A_291], %add3A_289 {strides = array<i32>} : memref<3584x192xf32, #tpu.memory_space<vmem>>, vector<3584x192xf32>,
    %get3A_293 = arith.constant 0 : index
    %get3A_294 = arith.constant 0 : index
    %get3A_295 = arith.constant 0 : index
    %get3A_296 = vector.load %arg20[%get3A_293, %get3A_294, %get3A_295] : memref<18x226x128xf32, #tpu.memory_space<vmem>>, vector<16x224x128xf32>
    %reshape3A_297 = vector.shape_cast %get3A_296 : vector<16x224x128xf32> to vector<3584x128xf32>
    %get3A_298 = arith.constant 0 : index
    %get3A_299 = arith.constant 0 : index
    %get3A_300 = vector.load %arg21[%get3A_298, %get3A_299] : memref<3584x192xf32, #tpu.memory_space<vmem>>, vector<3584x192xf32>
    %get3A_301 = arith.constant 0 : index
    %get3A_302 = arith.constant 0 : index
    %get3A_303 = arith.constant 0 : index
    %get3A_304 = vector.load %arg14[%get3A_301, %get3A_302, %get3A_303] : memref<9x128x192xf32, #tpu.memory_space<vmem>>, vector<1x128x192xf32>
    %get3A_305 = vector.shape_cast %get3A_304 : vector<1x128x192xf32> to vector<128x192xf32>
    %dot_general3A_306 = arith.constant dense<0.000000e+00> : vector<3584x192xf32>
    %dot_general3A_307 = tpu.matmul %reshape3A_297, %get3A_305, %dot_general3A_306 {dimension_numbers = #tpu.dot_dimension_numbers<[1], [0], [0], [1], [0, 0, 1, 1], [], []>, transpose_lhs_hint = false} : vector<3584x128xf32>, vector<128x192xf32>, vector<3584x192xf32> -> vector<3584x192xf32>
    %add3A_308 = arith.addf %get3A_300, %dot_general3A_307 : vector<3584x192xf32>
    %swap3A_309 = arith.constant 0 : index
    %swap3A_310 = arith.constant 0 : index
    %swap3A_311 = vector.load %arg21[%swap3A_309, %swap3A_310] : memref<3584x192xf32, #tpu.memory_space<vmem>>, vector<3584x192xf32>
    tpu.vector_store %arg21[%swap3A_309, %swap3A_310], %add3A_308 {strides = array<i32>} : memref<3584x192xf32, #tpu.memory_space<vmem>>, vector<3584x192xf32>,
    %get3A_312 = arith.constant 0 : index
    %get3A_313 = arith.constant 1 : index
    %get3A_314 = arith.constant 0 : index
    %get3A_315 = vector.load %arg19[%get3A_312, %get3A_313, %get3A_314] : memref<18x226x64xf32, #tpu.memory_space<vmem>>, vector<16x224x64xf32>
    %reshape3A_316 = vector.shape_cast %get3A_315 : vector<16x224x64xf32> to vector<3584x64xf32>
    %get3A_317 = arith.constant 0 : index
    %get3A_318 = arith.constant 0 : index
    %get3A_319 = vector.load %arg21[%get3A_317, %get3A_318] : memref<3584x192xf32, #tpu.memory_space<vmem>>, vector<3584x192xf32>
    %get3A_320 = arith.constant 1 : index
    %get3A_321 = arith.constant 0 : index
    %get3A_322 = arith.constant 0 : index
    %get3A_323 = vector.load %arg13[%get3A_320, %get3A_321, %get3A_322] : memref<9x64x192xf32, #tpu.memory_space<vmem>>, vector<1x64x192xf32>
    %get3A_324 = vector.shape_cast %get3A_323 : vector<1x64x192xf32> to vector<64x192xf32>
    %dot_general3A_325 = arith.constant dense<0.000000e+00> : vector<3584x192xf32>
    %dot_general3A_326 = tpu.matmul %reshape3A_316, %get3A_324, %dot_general3A_325 {dimension_numbers = #tpu.dot_dimension_numbers<[1], [0], [0], [1], [0, 0, 1, 1], [], []>, transpose_lhs_hint = false} : vector<3584x64xf32>, vector<64x192xf32>, vector<3584x192xf32> -> vector<3584x192xf32>
    %add3A_327 = arith.addf %get3A_319, %dot_general3A_326 : vector<3584x192xf32>
    %swap3A_328 = arith.constant 0 : index
    %swap3A_329 = arith.constant 0 : index
    %swap3A_330 = vector.load %arg21[%swap3A_328, %swap3A_329] : memref<3584x192xf32, #tpu.memory_space<vmem>>, vector<3584x192xf32>
    tpu.vector_store %arg21[%swap3A_328, %swap3A_329], %add3A_327 {strides = array<i32>} : memref<3584x192xf32, #tpu.memory_space<vmem>>, vector<3584x192xf32>,
    %get3A_331 = arith.constant 0 : index
    %get3A_332 = arith.constant 1 : index
    %get3A_333 = arith.constant 0 : index
    %get3A_334 = vector.load %arg20[%get3A_331, %get3A_332, %get3A_333] : memref<18x226x128xf32, #tpu.memory_space<vmem>>, vector<16x224x128xf32>
    %reshape3A_335 = vector.shape_cast %get3A_334 : vector<16x224x128xf32> to vector<3584x128xf32>
    %get3A_336 = arith.constant 0 : index
    %get3A_337 = arith.constant 0 : index
    %get3A_338 = vector.load %arg21[%get3A_336, %get3A_337] : memref<3584x192xf32, #tpu.memory_space<vmem>>, vector<3584x192xf32>
    %get3A_339 = arith.constant 1 : index
    %get3A_340 = arith.constant 0 : index
    %get3A_341 = arith.constant 0 : index
    %get3A_342 = vector.load %arg14[%get3A_339, %get3A_340, %get3A_341] : memref<9x128x192xf32, #tpu.memory_space<vmem>>, vector<1x128x192xf32>
    %get3A_343 = vector.shape_cast %get3A_342 : vector<1x128x192xf32> to vector<128x192xf32>
    %dot_general3A_344 = arith.constant dense<0.000000e+00> : vector<3584x192xf32>
    %dot_general3A_345 = tpu.matmul %reshape3A_335, %get3A_343, %dot_general3A_344 {dimension_numbers = #tpu.dot_dimension_numbers<[1], [0], [0], [1], [0, 0, 1, 1], [], []>, transpose_lhs_hint = false} : vector<3584x128xf32>, vector<128x192xf32>, vector<3584x192xf32> -> vector<3584x192xf32>
    %add3A_346 = arith.addf %get3A_338, %dot_general3A_345 : vector<3584x192xf32>
    %swap3A_347 = arith.constant 0 : index
    %swap3A_348 = arith.constant 0 : index
    %swap3A_349 = vector.load %arg21[%swap3A_347, %swap3A_348] : memref<3584x192xf32, #tpu.memory_space<vmem>>, vector<3584x192xf32>
    tpu.vector_store %arg21[%swap3A_347, %swap3A_348], %add3A_346 {strides = array<i32>} : memref<3584x192xf32, #tpu.memory_space<vmem>>, vector<3584x192xf32>,
    %get3A_350 = arith.constant 0 : index
    %get3A_351 = arith.constant 2 : index
    %get3A_352 = arith.constant 0 : index
    %get3A_353 = vector.load %arg19[%get3A_350, %get3A_351, %get3A_352] : memref<18x226x64xf32, #tpu.memory_space<vmem>>, vector<16x224x64xf32>
    %reshape3A_354 = vector.shape_cast %get3A_353 : vector<16x224x64xf32> to vector<3584x64xf32>
    %get3A_355 = arith.constant 0 : index
    %get3A_356 = arith.constant 0 : index
    %get3A_357 = vector.load %arg21[%get3A_355, %get3A_356] : memref<3584x192xf32, #tpu.memory_space<vmem>>, vector<3584x192xf32>
    %get3A_358 = arith.constant 2 : index
    %get3A_359 = arith.constant 0 : index
    %get3A_360 = arith.constant 0 : index
    %get3A_361 = vector.load %arg13[%get3A_358, %get3A_359, %get3A_360] : memref<9x64x192xf32, #tpu.memory_space<vmem>>, vector<1x64x192xf32>
    %get3A_362 = vector.shape_cast %get3A_361 : vector<1x64x192xf32> to vector<64x192xf32>
    %dot_general3A_363 = arith.constant dense<0.000000e+00> : vector<3584x192xf32>
    %dot_general3A_364 = tpu.matmul %reshape3A_354, %get3A_362, %dot_general3A_363 {dimension_numbers = #tpu.dot_dimension_numbers<[1], [0], [0], [1], [0, 0, 1, 1], [], []>, transpose_lhs_hint = false} : vector<3584x64xf32>, vector<64x192xf32>, vector<3584x192xf32> -> vector<3584x192xf32>
    %add3A_365 = arith.addf %get3A_357, %dot_general3A_364 : vector<3584x192xf32>
    %swap3A_366 = arith.constant 0 : index
    %swap3A_367 = arith.constant 0 : index
    %swap3A_368 = vector.load %arg21[%swap3A_366, %swap3A_367] : memref<3584x192xf32, #tpu.memory_space<vmem>>, vector<3584x192xf32>
    tpu.vector_store %arg21[%swap3A_366, %swap3A_367], %add3A_365 {strides = array<i32>} : memref<3584x192xf32, #tpu.memory_space<vmem>>, vector<3584x192xf32>,
    %get3A_369 = arith.constant 0 : index
    %get3A_370 = arith.constant 2 : index
    %get3A_371 = arith.constant 0 : index
    %get3A_372 = vector.load %arg20[%get3A_369, %get3A_370, %get3A_371] : memref<18x226x128xf32, #tpu.memory_space<vmem>>, vector<16x224x128xf32>
    %reshape3A_373 = vector.shape_cast %get3A_372 : vector<16x224x128xf32> to vector<3584x128xf32>
    %get3A_374 = arith.constant 0 : index
    %get3A_375 = arith.constant 0 : index
    %get3A_376 = vector.load %arg21[%get3A_374, %get3A_375] : memref<3584x192xf32, #tpu.memory_space<vmem>>, vector<3584x192xf32>
    %get3A_377 = arith.constant 2 : index
    %get3A_378 = arith.constant 0 : index
    %get3A_379 = arith.constant 0 : index
    %get3A_380 = vector.load %arg14[%get3A_377, %get3A_378, %get3A_379] : memref<9x128x192xf32, #tpu.memory_space<vmem>>, vector<1x128x192xf32>
    %get3A_381 = vector.shape_cast %get3A_380 : vector<1x128x192xf32> to vector<128x192xf32>
    %dot_general3A_382 = arith.constant dense<0.000000e+00> : vector<3584x192xf32>
    %dot_general3A_383 = tpu.matmul %reshape3A_373, %get3A_381, %dot_general3A_382 {dimension_numbers = #tpu.dot_dimension_numbers<[1], [0], [0], [1], [0, 0, 1, 1], [], []>, transpose_lhs_hint = false} : vector<3584x128xf32>, vector<128x192xf32>, vector<3584x192xf32> -> vector<3584x192xf32>
    %add3A_384 = arith.addf %get3A_376, %dot_general3A_383 : vector<3584x192xf32>
    %swap3A_385 = arith.constant 0 : index
    %swap3A_386 = arith.constant 0 : index
    %swap3A_387 = vector.load %arg21[%swap3A_385, %swap3A_386] : memref<3584x192xf32, #tpu.memory_space<vmem>>, vector<3584x192xf32>
    tpu.vector_store %arg21[%swap3A_385, %swap3A_386], %add3A_384 {strides = array<i32>} : memref<3584x192xf32, #tpu.memory_space<vmem>>, vector<3584x192xf32>,
    %get3A_388 = arith.constant 1 : index
    %get3A_389 = arith.constant 0 : index
    %get3A_390 = arith.constant 0 : index
    %get3A_391 = vector.load %arg19[%get3A_388, %get3A_389, %get3A_390] : memref<18x226x64xf32, #tpu.memory_space<vmem>>, vector<16x224x64xf32>
    %reshape3A_392 = vector.shape_cast %get3A_391 : vector<16x224x64xf32> to vector<3584x64xf32>
    %get3A_393 = arith.constant 0 : index
    %get3A_394 = arith.constant 0 : index
    %get3A_395 = vector.load %arg21[%get3A_393, %get3A_394] : memref<3584x192xf32, #tpu.memory_space<vmem>>, vector<3584x192xf32>
    %get3A_396 = arith.constant 3 : index
    %get3A_397 = arith.constant 0 : index
    %get3A_398 = arith.constant 0 : index
    %get3A_399 = vector.load %arg13[%get3A_396, %get3A_397, %get3A_398] : memref<9x64x192xf32, #tpu.memory_space<vmem>>, vector<1x64x192xf32>
    %get3A_400 = vector.shape_cast %get3A_399 : vector<1x64x192xf32> to vector<64x192xf32>
    %dot_general3A_401 = arith.constant dense<0.000000e+00> : vector<3584x192xf32>
    %dot_general3A_402 = tpu.matmul %reshape3A_392, %get3A_400, %dot_general3A_401 {dimension_numbers = #tpu.dot_dimension_numbers<[1], [0], [0], [1], [0, 0, 1, 1], [], []>, transpose_lhs_hint = false} : vector<3584x64xf32>, vector<64x192xf32>, vector<3584x192xf32> -> vector<3584x192xf32>
    %add3A_403 = arith.addf %get3A_395, %dot_general3A_402 : vector<3584x192xf32>
    %swap3A_404 = arith.constant 0 : index
    %swap3A_405 = arith.constant 0 : index
    %swap3A_406 = vector.load %arg21[%swap3A_404, %swap3A_405] : memref<3584x192xf32, #tpu.memory_space<vmem>>, vector<3584x192xf32>
    tpu.vector_store %arg21[%swap3A_404, %swap3A_405], %add3A_403 {strides = array<i32>} : memref<3584x192xf32, #tpu.memory_space<vmem>>, vector<3584x192xf32>,
    %get3A_407 = arith.constant 1 : index
    %get3A_408 = arith.constant 0 : index
    %get3A_409 = arith.constant 0 : index
    %get3A_410 = vector.load %arg20[%get3A_407, %get3A_408, %get3A_409] : memref<18x226x128xf32, #tpu.memory_space<vmem>>, vector<16x224x128xf32>
    %reshape3A_411 = vector.shape_cast %get3A_410 : vector<16x224x128xf32> to vector<3584x128xf32>
    %get3A_412 = arith.constant 0 : index
    %get3A_413 = arith.constant 0 : index
    %get3A_414 = vector.load %arg21[%get3A_412, %get3A_413] : memref<3584x192xf32, #tpu.memory_space<vmem>>, vector<3584x192xf32>
    %get3A_415 = arith.constant 3 : index
    %get3A_416 = arith.constant 0 : index
    %get3A_417 = arith.constant 0 : index
    %get3A_418 = vector.load %arg14[%get3A_415, %get3A_416, %get3A_417] : memref<9x128x192xf32, #tpu.memory_space<vmem>>, vector<1x128x192xf32>
    %get3A_419 = vector.shape_cast %get3A_418 : vector<1x128x192xf32> to vector<128x192xf32>
    %dot_general3A_420 = arith.constant dense<0.000000e+00> : vector<3584x192xf32>
    %dot_general3A_421 = tpu.matmul %reshape3A_411, %get3A_419, %dot_general3A_420 {dimension_numbers = #tpu.dot_dimension_numbers<[1], [0], [0], [1], [0, 0, 1, 1], [], []>, transpose_lhs_hint = false} : vector<3584x128xf32>, vector<128x192xf32>, vector<3584x192xf32> -> vector<3584x192xf32>
    %add3A_422 = arith.addf %get3A_414, %dot_general3A_421 : vector<3584x192xf32>
    %swap3A_423 = arith.constant 0 : index
    %swap3A_424 = arith.constant 0 : index
    %swap3A_425 = vector.load %arg21[%swap3A_423, %swap3A_424] : memref<3584x192xf32, #tpu.memory_space<vmem>>, vector<3584x192xf32>
    tpu.vector_store %arg21[%swap3A_423, %swap3A_424], %add3A_422 {strides = array<i32>} : memref<3584x192xf32, #tpu.memory_space<vmem>>, vector<3584x192xf32>,
    %get3A_426 = arith.constant 1 : index
    %get3A_427 = arith.constant 1 : index
    %get3A_428 = arith.constant 0 : index
    %get3A_429 = vector.load %arg19[%get3A_426, %get3A_427, %get3A_428] : memref<18x226x64xf32, #tpu.memory_space<vmem>>, vector<16x224x64xf32>
    %reshape3A_430 = vector.shape_cast %get3A_429 : vector<16x224x64xf32> to vector<3584x64xf32>
    %get3A_431 = arith.constant 0 : index
    %get3A_432 = arith.constant 0 : index
    %get3A_433 = vector.load %arg21[%get3A_431, %get3A_432] : memref<3584x192xf32, #tpu.memory_space<vmem>>, vector<3584x192xf32>
    %get3A_434 = arith.constant 4 : index
    %get3A_435 = arith.constant 0 : index
    %get3A_436 = arith.constant 0 : index
    %get3A_437 = vector.load %arg13[%get3A_434, %get3A_435, %get3A_436] : memref<9x64x192xf32, #tpu.memory_space<vmem>>, vector<1x64x192xf32>
    %get3A_438 = vector.shape_cast %get3A_437 : vector<1x64x192xf32> to vector<64x192xf32>
    %dot_general3A_439 = arith.constant dense<0.000000e+00> : vector<3584x192xf32>
    %dot_general3A_440 = tpu.matmul %reshape3A_430, %get3A_438, %dot_general3A_439 {dimension_numbers = #tpu.dot_dimension_numbers<[1], [0], [0], [1], [0, 0, 1, 1], [], []>, transpose_lhs_hint = false} : vector<3584x64xf32>, vector<64x192xf32>, vector<3584x192xf32> -> vector<3584x192xf32>
    %add3A_441 = arith.addf %get3A_433, %dot_general3A_440 : vector<3584x192xf32>
    %swap3A_442 = arith.constant 0 : index
    %swap3A_443 = arith.constant 0 : index
    %swap3A_444 = vector.load %arg21[%swap3A_442, %swap3A_443] : memref<3584x192xf32, #tpu.memory_space<vmem>>, vector<3584x192xf32>
    tpu.vector_store %arg21[%swap3A_442, %swap3A_443], %add3A_441 {strides = array<i32>} : memref<3584x192xf32, #tpu.memory_space<vmem>>, vector<3584x192xf32>,
    %get3A_445 = arith.constant 1 : index
    %get3A_446 = arith.constant 1 : index
    %get3A_447 = arith.constant 0 : index
    %get3A_448 = vector.load %arg20[%get3A_445, %get3A_446, %get3A_447] : memref<18x226x128xf32, #tpu.memory_space<vmem>>, vector<16x224x128xf32>
    %reshape3A_449 = vector.shape_cast %get3A_448 : vector<16x224x128xf32> to vector<3584x128xf32>
    %get3A_450 = arith.constant 0 : index
    %get3A_451 = arith.constant 0 : index
    %get3A_452 = vector.load %arg21[%get3A_450, %get3A_451] : memref<3584x192xf32, #tpu.memory_space<vmem>>, vector<3584x192xf32>
    %get3A_453 = arith.constant 4 : index
    %get3A_454 = arith.constant 0 : index
    %get3A_455 = arith.constant 0 : index
    %get3A_456 = vector.load %arg14[%get3A_453, %get3A_454, %get3A_455] : memref<9x128x192xf32, #tpu.memory_space<vmem>>, vector<1x128x192xf32>
    %get3A_457 = vector.shape_cast %get3A_456 : vector<1x128x192xf32> to vector<128x192xf32>
    %dot_general3A_458 = arith.constant dense<0.000000e+00> : vector<3584x192xf32>
    %dot_general3A_459 = tpu.matmul %reshape3A_449, %get3A_457, %dot_general3A_458 {dimension_numbers = #tpu.dot_dimension_numbers<[1], [0], [0], [1], [0, 0, 1, 1], [], []>, transpose_lhs_hint = false} : vector<3584x128xf32>, vector<128x192xf32>, vector<3584x192xf32> -> vector<3584x192xf32>
    %add3A_460 = arith.addf %get3A_452, %dot_general3A_459 : vector<3584x192xf32>
    %swap3A_461 = arith.constant 0 : index
    %swap3A_462 = arith.constant 0 : index
    %swap3A_463 = vector.load %arg21[%swap3A_461, %swap3A_462] : memref<3584x192xf32, #tpu.memory_space<vmem>>, vector<3584x192xf32>
    tpu.vector_store %arg21[%swap3A_461, %swap3A_462], %add3A_460 {strides = array<i32>} : memref<3584x192xf32, #tpu.memory_space<vmem>>, vector<3584x192xf32>,
    %get3A_464 = arith.constant 1 : index
    %get3A_465 = arith.constant 2 : index
    %get3A_466 = arith.constant 0 : index
    %get3A_467 = vector.load %arg19[%get3A_464, %get3A_465, %get3A_466] : memref<18x226x64xf32, #tpu.memory_space<vmem>>, vector<16x224x64xf32>
    %reshape3A_468 = vector.shape_cast %get3A_467 : vector<16x224x64xf32> to vector<3584x64xf32>
    %get3A_469 = arith.constant 0 : index
    %get3A_470 = arith.constant 0 : index
    %get3A_471 = vector.load %arg21[%get3A_469, %get3A_470] : memref<3584x192xf32, #tpu.memory_space<vmem>>, vector<3584x192xf32>
    %get3A_472 = arith.constant 5 : index
    %get3A_473 = arith.constant 0 : index
    %get3A_474 = arith.constant 0 : index
    %get3A_475 = vector.load %arg13[%get3A_472, %get3A_473, %get3A_474] : memref<9x64x192xf32, #tpu.memory_space<vmem>>, vector<1x64x192xf32>
    %get3A_476 = vector.shape_cast %get3A_475 : vector<1x64x192xf32> to vector<64x192xf32>
    %dot_general3A_477 = arith.constant dense<0.000000e+00> : vector<3584x192xf32>
    %dot_general3A_478 = tpu.matmul %reshape3A_468, %get3A_476, %dot_general3A_477 {dimension_numbers = #tpu.dot_dimension_numbers<[1], [0], [0], [1], [0, 0, 1, 1], [], []>, transpose_lhs_hint = false} : vector<3584x64xf32>, vector<64x192xf32>, vector<3584x192xf32> -> vector<3584x192xf32>
    %add3A_479 = arith.addf %get3A_471, %dot_general3A_478 : vector<3584x192xf32>
    %swap3A_480 = arith.constant 0 : index
    %swap3A_481 = arith.constant 0 : index
    %swap3A_482 = vector.load %arg21[%swap3A_480, %swap3A_481] : memref<3584x192xf32, #tpu.memory_space<vmem>>, vector<3584x192xf32>
    tpu.vector_store %arg21[%swap3A_480, %swap3A_481], %add3A_479 {strides = array<i32>} : memref<3584x192xf32, #tpu.memory_space<vmem>>, vector<3584x192xf32>,
    %get3A_483 = arith.constant 1 : index
    %get3A_484 = arith.constant 2 : index
    %get3A_485 = arith.constant 0 : index
    %get3A_486 = vector.load %arg20[%get3A_483, %get3A_484, %get3A_485] : memref<18x226x128xf32, #tpu.memory_space<vmem>>, vector<16x224x128xf32>
    %reshape3A_487 = vector.shape_cast %get3A_486 : vector<16x224x128xf32> to vector<3584x128xf32>
    %get3A_488 = arith.constant 0 : index
    %get3A_489 = arith.constant 0 : index
    %get3A_490 = vector.load %arg21[%get3A_488, %get3A_489] : memref<3584x192xf32, #tpu.memory_space<vmem>>, vector<3584x192xf32>
    %get3A_491 = arith.constant 5 : index
    %get3A_492 = arith.constant 0 : index
    %get3A_493 = arith.constant 0 : index
    %get3A_494 = vector.load %arg14[%get3A_491, %get3A_492, %get3A_493] : memref<9x128x192xf32, #tpu.memory_space<vmem>>, vector<1x128x192xf32>
    %get3A_495 = vector.shape_cast %get3A_494 : vector<1x128x192xf32> to vector<128x192xf32>
    %dot_general3A_496 = arith.constant dense<0.000000e+00> : vector<3584x192xf32>
    %dot_general3A_497 = tpu.matmul %reshape3A_487, %get3A_495, %dot_general3A_496 {dimension_numbers = #tpu.dot_dimension_numbers<[1], [0], [0], [1], [0, 0, 1, 1], [], []>, transpose_lhs_hint = false} : vector<3584x128xf32>, vector<128x192xf32>, vector<3584x192xf32> -> vector<3584x192xf32>
    %add3A_498 = arith.addf %get3A_490, %dot_general3A_497 : vector<3584x192xf32>
    %swap3A_499 = arith.constant 0 : index
    %swap3A_500 = arith.constant 0 : index
    %swap3A_501 = vector.load %arg21[%swap3A_499, %swap3A_500] : memref<3584x192xf32, #tpu.memory_space<vmem>>, vector<3584x192xf32>
    tpu.vector_store %arg21[%swap3A_499, %swap3A_500], %add3A_498 {strides = array<i32>} : memref<3584x192xf32, #tpu.memory_space<vmem>>, vector<3584x192xf32>,
    %get3A_502 = arith.constant 2 : index
    %get3A_503 = arith.constant 0 : index
    %get3A_504 = arith.constant 0 : index
    %get3A_505 = vector.load %arg19[%get3A_502, %get3A_503, %get3A_504] : memref<18x226x64xf32, #tpu.memory_space<vmem>>, vector<16x224x64xf32>
    %reshape3A_506 = vector.shape_cast %get3A_505 : vector<16x224x64xf32> to vector<3584x64xf32>
    %get3A_507 = arith.constant 0 : index
    %get3A_508 = arith.constant 0 : index
    %get3A_509 = vector.load %arg21[%get3A_507, %get3A_508] : memref<3584x192xf32, #tpu.memory_space<vmem>>, vector<3584x192xf32>
    %get3A_510 = arith.constant 6 : index
    %get3A_511 = arith.constant 0 : index
    %get3A_512 = arith.constant 0 : index
    %get3A_513 = vector.load %arg13[%get3A_510, %get3A_511, %get3A_512] : memref<9x64x192xf32, #tpu.memory_space<vmem>>, vector<1x64x192xf32>
    %get3A_514 = vector.shape_cast %get3A_513 : vector<1x64x192xf32> to vector<64x192xf32>
    %dot_general3A_515 = arith.constant dense<0.000000e+00> : vector<3584x192xf32>
    %dot_general3A_516 = tpu.matmul %reshape3A_506, %get3A_514, %dot_general3A_515 {dimension_numbers = #tpu.dot_dimension_numbers<[1], [0], [0], [1], [0, 0, 1, 1], [], []>, transpose_lhs_hint = false} : vector<3584x64xf32>, vector<64x192xf32>, vector<3584x192xf32> -> vector<3584x192xf32>
    %add3A_517 = arith.addf %get3A_509, %dot_general3A_516 : vector<3584x192xf32>
    %swap3A_518 = arith.constant 0 : index
    %swap3A_519 = arith.constant 0 : index
    %swap3A_520 = vector.load %arg21[%swap3A_518, %swap3A_519] : memref<3584x192xf32, #tpu.memory_space<vmem>>, vector<3584x192xf32>
    tpu.vector_store %arg21[%swap3A_518, %swap3A_519], %add3A_517 {strides = array<i32>} : memref<3584x192xf32, #tpu.memory_space<vmem>>, vector<3584x192xf32>,
    %get3A_521 = arith.constant 2 : index
    %get3A_522 = arith.constant 0 : index
    %get3A_523 = arith.constant 0 : index
    %get3A_524 = vector.load %arg20[%get3A_521, %get3A_522, %get3A_523] : memref<18x226x128xf32, #tpu.memory_space<vmem>>, vector<16x224x128xf32>
    %reshape3A_525 = vector.shape_cast %get3A_524 : vector<16x224x128xf32> to vector<3584x128xf32>
    %get3A_526 = arith.constant 0 : index
    %get3A_527 = arith.constant 0 : index
    %get3A_528 = vector.load %arg21[%get3A_526, %get3A_527] : memref<3584x192xf32, #tpu.memory_space<vmem>>, vector<3584x192xf32>
    %get3A_529 = arith.constant 6 : index
    %get3A_530 = arith.constant 0 : index
    %get3A_531 = arith.constant 0 : index
    %get3A_532 = vector.load %arg14[%get3A_529, %get3A_530, %get3A_531] : memref<9x128x192xf32, #tpu.memory_space<vmem>>, vector<1x128x192xf32>
    %get3A_533 = vector.shape_cast %get3A_532 : vector<1x128x192xf32> to vector<128x192xf32>
    %dot_general3A_534 = arith.constant dense<0.000000e+00> : vector<3584x192xf32>
    %dot_general3A_535 = tpu.matmul %reshape3A_525, %get3A_533, %dot_general3A_534 {dimension_numbers = #tpu.dot_dimension_numbers<[1], [0], [0], [1], [0, 0, 1, 1], [], []>, transpose_lhs_hint = false} : vector<3584x128xf32>, vector<128x192xf32>, vector<3584x192xf32> -> vector<3584x192xf32>
    %add3A_536 = arith.addf %get3A_528, %dot_general3A_535 : vector<3584x192xf32>
    %swap3A_537 = arith.constant 0 : index
    %swap3A_538 = arith.constant 0 : index
    %swap3A_539 = vector.load %arg21[%swap3A_537, %swap3A_538] : memref<3584x192xf32, #tpu.memory_space<vmem>>, vector<3584x192xf32>
    tpu.vector_store %arg21[%swap3A_537, %swap3A_538], %add3A_536 {strides = array<i32>} : memref<3584x192xf32, #tpu.memory_space<vmem>>, vector<3584x192xf32>,
    %get3A_540 = arith.constant 2 : index
    %get3A_541 = arith.constant 1 : index
    %get3A_542 = arith.constant 0 : index
    %get3A_543 = vector.load %arg19[%get3A_540, %get3A_541, %get3A_542] : memref<18x226x64xf32, #tpu.memory_space<vmem>>, vector<16x224x64xf32>
    %reshape3A_544 = vector.shape_cast %get3A_543 : vector<16x224x64xf32> to vector<3584x64xf32>
    %get3A_545 = arith.constant 0 : index
    %get3A_546 = arith.constant 0 : index
    %get3A_547 = vector.load %arg21[%get3A_545, %get3A_546] : memref<3584x192xf32, #tpu.memory_space<vmem>>, vector<3584x192xf32>
    %get3A_548 = arith.constant 7 : index
    %get3A_549 = arith.constant 0 : index
    %get3A_550 = arith.constant 0 : index
    %get3A_551 = vector.load %arg13[%get3A_548, %get3A_549, %get3A_550] : memref<9x64x192xf32, #tpu.memory_space<vmem>>, vector<1x64x192xf32>
    %get3A_552 = vector.shape_cast %get3A_551 : vector<1x64x192xf32> to vector<64x192xf32>
    %dot_general3A_553 = arith.constant dense<0.000000e+00> : vector<3584x192xf32>
    %dot_general3A_554 = tpu.matmul %reshape3A_544, %get3A_552, %dot_general3A_553 {dimension_numbers = #tpu.dot_dimension_numbers<[1], [0], [0], [1], [0, 0, 1, 1], [], []>, transpose_lhs_hint = false} : vector<3584x64xf32>, vector<64x192xf32>, vector<3584x192xf32> -> vector<3584x192xf32>
    %add3A_555 = arith.addf %get3A_547, %dot_general3A_554 : vector<3584x192xf32>
    %swap3A_556 = arith.constant 0 : index
    %swap3A_557 = arith.constant 0 : index
    %swap3A_558 = vector.load %arg21[%swap3A_556, %swap3A_557] : memref<3584x192xf32, #tpu.memory_space<vmem>>, vector<3584x192xf32>
    tpu.vector_store %arg21[%swap3A_556, %swap3A_557], %add3A_555 {strides = array<i32>} : memref<3584x192xf32, #tpu.memory_space<vmem>>, vector<3584x192xf32>,
    %get3A_559 = arith.constant 2 : index
    %get3A_560 = arith.constant 1 : index
    %get3A_561 = arith.constant 0 : index
    %get3A_562 = vector.load %arg20[%get3A_559, %get3A_560, %get3A_561] : memref<18x226x128xf32, #tpu.memory_space<vmem>>, vector<16x224x128xf32>
    %reshape3A_563 = vector.shape_cast %get3A_562 : vector<16x224x128xf32> to vector<3584x128xf32>
    %get3A_564 = arith.constant 0 : index
    %get3A_565 = arith.constant 0 : index
    %get3A_566 = vector.load %arg21[%get3A_564, %get3A_565] : memref<3584x192xf32, #tpu.memory_space<vmem>>, vector<3584x192xf32>
    %get3A_567 = arith.constant 7 : index
    %get3A_568 = arith.constant 0 : index
    %get3A_569 = arith.constant 0 : index
    %get3A_570 = vector.load %arg14[%get3A_567, %get3A_568, %get3A_569] : memref<9x128x192xf32, #tpu.memory_space<vmem>>, vector<1x128x192xf32>
    %get3A_571 = vector.shape_cast %get3A_570 : vector<1x128x192xf32> to vector<128x192xf32>
    %dot_general3A_572 = arith.constant dense<0.000000e+00> : vector<3584x192xf32>
    %dot_general3A_573 = tpu.matmul %reshape3A_563, %get3A_571, %dot_general3A_572 {dimension_numbers = #tpu.dot_dimension_numbers<[1], [0], [0], [1], [0, 0, 1, 1], [], []>, transpose_lhs_hint = false} : vector<3584x128xf32>, vector<128x192xf32>, vector<3584x192xf32> -> vector<3584x192xf32>
    %add3A_574 = arith.addf %get3A_566, %dot_general3A_573 : vector<3584x192xf32>
    %swap3A_575 = arith.constant 0 : index
    %swap3A_576 = arith.constant 0 : index
    %swap3A_577 = vector.load %arg21[%swap3A_575, %swap3A_576] : memref<3584x192xf32, #tpu.memory_space<vmem>>, vector<3584x192xf32>
    tpu.vector_store %arg21[%swap3A_575, %swap3A_576], %add3A_574 {strides = array<i32>} : memref<3584x192xf32, #tpu.memory_space<vmem>>, vector<3584x192xf32>,
    %get3A_578 = arith.constant 2 : index
    %get3A_579 = arith.constant 2 : index
    %get3A_580 = arith.constant 0 : index
    %get3A_581 = vector.load %arg19[%get3A_578, %get3A_579, %get3A_580] : memref<18x226x64xf32, #tpu.memory_space<vmem>>, vector<16x224x64xf32>
    %reshape3A_582 = vector.shape_cast %get3A_581 : vector<16x224x64xf32> to vector<3584x64xf32>
    %get3A_583 = arith.constant 0 : index
    %get3A_584 = arith.constant 0 : index
    %get3A_585 = vector.load %arg21[%get3A_583, %get3A_584] : memref<3584x192xf32, #tpu.memory_space<vmem>>, vector<3584x192xf32>
    %get3A_586 = arith.constant 8 : index
    %get3A_587 = arith.constant 0 : index
    %get3A_588 = arith.constant 0 : index
    %get3A_589 = vector.load %arg13[%get3A_586, %get3A_587, %get3A_588] : memref<9x64x192xf32, #tpu.memory_space<vmem>>, vector<1x64x192xf32>
    %get3A_590 = vector.shape_cast %get3A_589 : vector<1x64x192xf32> to vector<64x192xf32>
    %dot_general3A_591 = arith.constant dense<0.000000e+00> : vector<3584x192xf32>
    %dot_general3A_592 = tpu.matmul %reshape3A_582, %get3A_590, %dot_general3A_591 {dimension_numbers = #tpu.dot_dimension_numbers<[1], [0], [0], [1], [0, 0, 1, 1], [], []>, transpose_lhs_hint = false} : vector<3584x64xf32>, vector<64x192xf32>, vector<3584x192xf32> -> vector<3584x192xf32>
    %add3A_593 = arith.addf %get3A_585, %dot_general3A_592 : vector<3584x192xf32>
    %swap3A_594 = arith.constant 0 : index
    %swap3A_595 = arith.constant 0 : index
    %swap3A_596 = vector.load %arg21[%swap3A_594, %swap3A_595] : memref<3584x192xf32, #tpu.memory_space<vmem>>, vector<3584x192xf32>
    tpu.vector_store %arg21[%swap3A_594, %swap3A_595], %add3A_593 {strides = array<i32>} : memref<3584x192xf32, #tpu.memory_space<vmem>>, vector<3584x192xf32>,
    %get3A_597 = arith.constant 2 : index
    %get3A_598 = arith.constant 2 : index
    %get3A_599 = arith.constant 0 : index
    %get3A_600 = vector.load %arg20[%get3A_597, %get3A_598, %get3A_599] : memref<18x226x128xf32, #tpu.memory_space<vmem>>, vector<16x224x128xf32>
    %reshape3A_601 = vector.shape_cast %get3A_600 : vector<16x224x128xf32> to vector<3584x128xf32>
    %get3A_602 = arith.constant 0 : index
    %get3A_603 = arith.constant 0 : index
    %get3A_604 = vector.load %arg21[%get3A_602, %get3A_603] : memref<3584x192xf32, #tpu.memory_space<vmem>>, vector<3584x192xf32>
    %get3A_605 = arith.constant 8 : index
    %get3A_606 = arith.constant 0 : index
    %get3A_607 = arith.constant 0 : index
    %get3A_608 = vector.load %arg14[%get3A_605, %get3A_606, %get3A_607] : memref<9x128x192xf32, #tpu.memory_space<vmem>>, vector<1x128x192xf32>
    %get3A_609 = vector.shape_cast %get3A_608 : vector<1x128x192xf32> to vector<128x192xf32>
    %dot_general3A_610 = arith.constant dense<0.000000e+00> : vector<3584x192xf32>
    %dot_general3A_611 = tpu.matmul %reshape3A_601, %get3A_609, %dot_general3A_610 {dimension_numbers = #tpu.dot_dimension_numbers<[1], [0], [0], [1], [0, 0, 1, 1], [], []>, transpose_lhs_hint = false} : vector<3584x128xf32>, vector<128x192xf32>, vector<3584x192xf32> -> vector<3584x192xf32>
    %add3A_612 = arith.addf %get3A_604, %dot_general3A_611 : vector<3584x192xf32>
    %swap3A_613 = arith.constant 0 : index
    %swap3A_614 = arith.constant 0 : index
    %swap3A_615 = vector.load %arg21[%swap3A_613, %swap3A_614] : memref<3584x192xf32, #tpu.memory_space<vmem>>, vector<3584x192xf32>
    tpu.vector_store %arg21[%swap3A_613, %swap3A_614], %add3A_612 {strides = array<i32>} : memref<3584x192xf32, #tpu.memory_space<vmem>>, vector<3584x192xf32>,
    %get3A_616 = arith.constant 0 : index
    %get3A_617 = arith.constant 0 : index
    %get3A_618 = vector.load %arg21[%get3A_616, %get3A_617] : memref<3584x192xf32, #tpu.memory_space<vmem>>, vector<3584x192xf32>
    %slice3A_619 = vector.extract_strided_slice %get3A_618 {offsets = [0, 0], sizes = [3584, 96], strides = [1, 1]} : vector<3584x192xf32> to vector<3584x96xf32>
    %reshape3A_620 = vector.shape_cast %slice3A_619 : vector<3584x96xf32> to vector<16x224x96xf32>
    %slice3A_621 = vector.extract_strided_slice %get3A_618 {offsets = [0, 96], sizes = [3584, 96], strides = [1, 1]} : vector<3584x192xf32> to vector<3584x96xf32>
    %reshape3A_622 = vector.shape_cast %slice3A_621 : vector<3584x96xf32> to vector<16x224x96xf32>
    %get3A_623 = arith.constant 0 : index
    %get3A_624 = arith.constant 0 : index
    %get3A_625 = vector.load %arg10[%get3A_623, %get3A_624] : memref<1x96xf32, #tpu.memory_space<vmem>>, vector<1x96xf32>
    %squeeze3A = vector.shape_cast %get3A_625 : vector<1x96xf32> to vector<96xf32>
    %get3A_626 = arith.constant 0 : index
    %get3A_627 = arith.constant 0 : index
    %get3A_628 = arith.constant 0 : index
    %get3A_629 = vector.load %arg11[%get3A_626, %get3A_627, %get3A_628] : memref<1x1x96xf32, #tpu.memory_space<vmem>>, vector<1x1x96xf32>
    %get3A_630 = vector.shape_cast %get3A_629 : vector<1x1x96xf32> to vector<96xf32>
    %get3A_631 = arith.constant 0 : index
    %get3A_632 = arith.constant 0 : index
    %get3A_633 = arith.constant 0 : index
    %get3A_634 = vector.load %arg12[%get3A_631, %get3A_632, %get3A_633] : memref<1x1x96xf32, #tpu.memory_space<vmem>>, vector<1x1x96xf32>
    %get3A_635 = vector.shape_cast %get3A_634 : vector<1x1x96xf32> to vector<96xf32>
    %get3A_636 = arith.constant 0 : index
    %get3A_637 = arith.constant 0 : index
    %get3A_638 = arith.constant 0 : index
    %get3A_639 = arith.constant 0 : index
    %get3A_640 = vector.load %arg8[%get3A_636, %get3A_637, %get3A_638, %get3A_639] : memref<1x16x224x96xf32, #tpu.memory_space<vmem>>, vector<1x16x224x96xf32>
    %get3A_641 = vector.shape_cast %get3A_640 : vector<1x16x224x96xf32> to vector<16x224x96xf32>
    %get3A_642 = arith.constant 0 : index
    %get3A_643 = arith.constant 0 : index
    %get3A_644 = arith.constant 0 : index
    %get3A_645 = vector.load %arg9[%get3A_642, %get3A_643, %get3A_644] : memref<1x16x224xf32, #tpu.memory_space<vmem>>, vector<1x16x224xf32>
    %get3A_646 = vector.shape_cast %get3A_645 : vector<1x16x224xf32> to vector<16x224xf32>
    %broadcast_in_dim3A_647 = vector.shape_cast %get3A_646 : vector<16x224xf32> to vector<16x224x1xf32>
    %broadcast_in_dim3A_648 = vector.shape_cast %squeeze3A : vector<96xf32> to vector<1x1x96xf32>
    %mul3A_649 = vector.broadcast %broadcast_in_dim3A_647 : vector<16x224x1xf32> to vector<16x224x96xf32>
    %mul3A_650 = vector.broadcast %broadcast_in_dim3A_648 : vector<1x1x96xf32> to vector<16x224x96xf32>
    %mul3A_651 = arith.mulf %mul3A_649, %mul3A_650 : vector<16x224x96xf32>
    %add3A_652 = arith.addf %get3A_641, %mul3A_651 : vector<16x224x96xf32>
    %broadcast_in_dim3A_653 = vector.shape_cast %get3A_630 : vector<96xf32> to vector<1x1x96xf32>
    %mul3A_654 = vector.broadcast %broadcast_in_dim3A_653 : vector<1x1x96xf32> to vector<16x224x96xf32>
    %mul3A_655 = arith.mulf %add3A_652, %mul3A_654 : vector<16x224x96xf32>
    %broadcast_in_dim3A_656 = vector.shape_cast %get3A_635 : vector<96xf32> to vector<1x1x96xf32>
    %add3A_657 = vector.broadcast %broadcast_in_dim3A_656 : vector<1x1x96xf32> to vector<16x224x96xf32>
    %add3A_658 = arith.addf %mul3A_655, %add3A_657 : vector<16x224x96xf32>
    %add3A_659 = arith.constant 1.000000e+00 : f32
    %add3A_660 = vector.broadcast %add3A_659 : f32 to vector<16x224x96xf32>
    %add3A_661 = arith.addf %add3A_660, %reshape3A_620 : vector<16x224x96xf32>
    %mul3A_662 = arith.mulf %add3A_658, %add3A_661 : vector<16x224x96xf32>
    %add3A_663 = arith.addf %mul3A_662, %reshape3A_622 : vector<16x224x96xf32>
    %swap3A_664 = arith.constant 0 : index
    %swap3A_665 = arith.constant 0 : index
    %swap3A_666 = arith.constant 0 : index
    %swap3A_667 = arith.constant 0 : index
    %swap3A_668 = vector.load %arg18[%swap3A_664, %swap3A_665, %swap3A_666, %swap3A_667] : memref<1x16x224x96xf32, #tpu.memory_space<vmem>>, vector<1x16x224x96xf32>
    %swap3A_669 = vector.shape_cast %swap3A_668 : vector<1x16x224x96xf32> to vector<16x224x96xf32>
    %swap3A_670 = vector.shape_cast %add3A_663 : vector<16x224x96xf32> to vector<1x16x224x96xf32>
    tpu.vector_store %arg18[%swap3A_664, %swap3A_665, %swap3A_666, %swap3A_667], %swap3A_670 {strides = array<i32>} : memref<1x16x224x96xf32, #tpu.memory_space<vmem>>, vector<1x16x224x96xf32>,
    return
  }
  func.func @transform_0(%arg0: i32, %arg1: i32) -> (i32, i32, i32, i32) {
    %mul3A = arith.constant 16 : i32
    %mul3A_0 = arith.muli %arg1, %mul3A : i32
    %sub3A = arith.constant 1 : i32
    %sub3A_1 = arith.subi %mul3A_0, %sub3A : i32
    %max3A = arith.constant 0 : i32
    %max3A_2 = arith.maxsi %sub3A_1, %max3A : i32
    %c0_i32 = arith.constant 0 : i32
    %c0_i32_3 = arith.constant 0 : i32
    %c0_i32_4 = arith.constant 0 : i32
    return %arg0, %max3A_2, %c0_i32, %c0_i32_3 : i32, i32, i32, i32
  }
  func.func @transform_1(%arg0: i32, %arg1: i32) -> (i32, i32, i32, i32) {
    %c0_i32 = arith.constant 0 : i32
    %c0_i32_0 = arith.constant 0 : i32
    %c0_i32_1 = arith.constant 0 : i32
    return %arg0, %arg1, %c0_i32, %c0_i32_0 : i32, i32, i32, i32
  }
  func.func @transform_2(%arg0: i32, %arg1: i32) -> (i32, i32, i32, i32) {
    %add3A = arith.constant 1 : i32
    %add3A_0 = arith.addi %arg1, %add3A : i32
    %mul3A = arith.constant 16 : i32
    %mul3A_1 = arith.muli %add3A_0, %mul3A : i32
    %min3A = arith.constant 223 : i32
    %min3A_2 = arith.minsi %mul3A_1, %min3A : i32
    %c0_i32 = arith.constant 0 : i32
    %c0_i32_3 = arith.constant 0 : i32
    %c0_i32_4 = arith.constant 0 : i32
    return %arg0, %min3A_2, %c0_i32, %c0_i32_3 : i32, i32, i32, i32
  }
  func.func @transform_3(%arg0: i32, %arg1: i32) -> (i32, i32, i32, i32) {
    %mul3A = arith.constant 8 : i32
    %mul3A_0 = arith.muli %arg1, %mul3A : i32
    %sub3A = arith.constant 1 : i32
    %sub3A_1 = arith.subi %mul3A_0, %sub3A : i32
    %max3A = arith.constant 0 : i32
    %max3A_2 = arith.maxsi %sub3A_1, %max3A : i32
    %c0_i32 = arith.constant 0 : i32
    %c0_i32_3 = arith.constant 0 : i32
    %c0_i32_4 = arith.constant 0 : i32
    return %arg0, %max3A_2, %c0_i32, %c0_i32_3 : i32, i32, i32, i32
  }
  func.func @transform_4(%arg0: i32, %arg1: i32) -> (i32, i32, i32, i32) {
    %c0_i32 = arith.constant 0 : i32
    %c0_i32_0 = arith.constant 0 : i32
    %c0_i32_1 = arith.constant 0 : i32
    return %arg0, %arg1, %c0_i32, %c0_i32_0 : i32, i32, i32, i32
  }
  func.func @transform_5(%arg0: i32, %arg1: i32) -> (i32, i32, i32, i32) {
    %add3A = arith.constant 1 : i32
    %add3A_0 = arith.addi %arg1, %add3A : i32
    %mul3A = arith.constant 8 : i32
    %mul3A_1 = arith.muli %add3A_0, %mul3A : i32
    %min3A = arith.constant 111 : i32
    %min3A_2 = arith.minsi %mul3A_1, %min3A : i32
    %c0_i32 = arith.constant 0 : i32
    %c0_i32_3 = arith.constant 0 : i32
    %c0_i32_4 = arith.constant 0 : i32
    return %arg0, %min3A_2, %c0_i32, %c0_i32_3 : i32, i32, i32, i32
  }
  func.func @transform_6(%arg0: i32, %arg1: i32) -> (i32, i32, i32, i32) {
    %c0_i32 = arith.constant 0 : i32
    %c0_i32_0 = arith.constant 0 : i32
    %c0_i32_1 = arith.constant 0 : i32
    return %arg0, %arg1, %c0_i32, %c0_i32_0 : i32, i32, i32, i32
  }
  func.func @transform_7(%arg0: i32, %arg1: i32) -> (i32, i32, i32) {
    %c0_i32 = arith.constant 0 : i32
    %c0_i32_0 = arith.constant 0 : i32
    return %arg0, %arg1, %c0_i32 : i32, i32, i32
  }
  func.func @transform_8(%arg0: i32, %arg1: i32) -> (i32, i32) {
    %c0_i32 = arith.constant 0 : i32
    %c0_i32_0 = arith.constant 0 : i32
    %c0_i32_1 = arith.constant 0 : i32
    return %c0_i32, %c0_i32_0 : i32, i32
  }
  func.func @transform_9(%arg0: i32, %arg1: i32) -> (i32, i32, i32) {
    %c0_i32 = arith.constant 0 : i32
    %c0_i32_0 = arith.constant 0 : i32
    %c0_i32_1 = arith.constant 0 : i32
    return %arg0, %c0_i32, %c0_i32_0 : i32, i32, i32
  }
  func.func @transform_10(%arg0: i32, %arg1: i32) -> (i32, i32, i32) {
    %c0_i32 = arith.constant 0 : i32
    %c0_i32_0 = arith.constant 0 : i32
    %c0_i32_1 = arith.constant 0 : i32
    return %arg0, %c0_i32, %c0_i32_0 : i32, i32, i32
  }
  func.func @transform_11(%arg0: i32, %arg1: i32) -> (i32, i32, i32) {
    %c0_i32 = arith.constant 0 : i32
    %c0_i32_0 = arith.constant 0 : i32
    %c0_i32_1 = arith.constant 0 : i32
    %c0_i32_2 = arith.constant 0 : i32
    return %c0_i32, %c0_i32_0, %c0_i32_1 : i32, i32, i32
  }
  func.func @transform_12(%arg0: i32, %arg1: i32) -> (i32, i32, i32) {
    %c0_i32 = arith.constant 0 : i32
    %c0_i32_0 = arith.constant 0 : i32
    %c0_i32_1 = arith.constant 0 : i32
    %c0_i32_2 = arith.constant 0 : i32
    return %c0_i32, %c0_i32_0, %c0_i32_1 : i32, i32, i32
  }
  func.func @transform_13(%arg0: i32, %arg1: i32) -> (i32, i32, i32) {
    %c0_i32 = arith.constant 0 : i32
    %c0_i32_0 = arith.constant 0 : i32
    %c0_i32_1 = arith.constant 0 : i32
    %c0_i32_2 = arith.constant 0 : i32
    return %c0_i32, %c0_i32_0, %c0_i32_1 : i32, i32, i32
  }
  func.func @transform_14(%arg0: i32, %arg1: i32) -> (i32, i32) {
    %c0_i32 = arith.constant 0 : i32
    %c0_i32_0 = arith.constant 0 : i32
    %c0_i32_1 = arith.constant 0 : i32
    return %c0_i32, %c0_i32_0 : i32, i32
  }
  func.func @transform_15(%arg0: i32, %arg1: i32) -> (i32, i32) {
    %c0_i32 = arith.constant 0 : i32
    %c0_i32_0 = arith.constant 0 : i32
    %c0_i32_1 = arith.constant 0 : i32
    return %c0_i32, %c0_i32_0 : i32, i32
  }
  func.func @transform_16(%arg0: i32, %arg1: i32) -> (i32, i32, i32, i32) {
    %c0_i32 = arith.constant 0 : i32
    %c0_i32_0 = arith.constant 0 : i32
    %c0_i32_1 = arith.constant 0 : i32
    return %arg0, %arg1, %c0_i32, %c0_i32_0 : i32, i32, i32, i32
  }
}

</mosaic_0001>

<sc_bundles>
// kernel: sparse-core-data-format-call.cloned.1.call-start
scs
called_computation_lowered:
.L_overlay_start_0:
0x0: {  	s2 =	sld [smem:$0x3FD9]  }
0x1: {  	s3 =	sld [smem:$0x3FFE];
	_ =	sdelay $0x1  }
0x2: {  	s1 =	srdreg.scid  }
0x3: {  	s0 =	sand.u32 $0x1, s1  }
0x4: {  	s18 =	sshll.u32 s0, $0xA;
	s2 =	sadd.s32 s3, s2  }
0x5: {  	s2 =	sadd.s32 s2, s18  }
0x6: {  	[smem:$0x3FB4] =	sst s2  }
0x7: {  	_ = 	snop  }
0x8: {  	s2 =	sld [smem:$0x3FD0];
	(tm) =	ssettm $0x1  }
0x9: {  	s19 =	sld [smem:$0x3FFB];
	_ =	sdelay $0x3  }
0xa: {  	_ =	strace s19  }
0xb: {  	s3 =	sld [smem:$0x3FFC];
	_ =	sdelay $0x3  }
0xc: {  	_ =	strace s3  }
0xd: {  	s3 =	sld [smem:$0x3FFD];
	_ =	sdelay $0x3  }
0xe: {  	_ =	strace s3  }
0xf: {  	_ =	strace $0x8FFFFFFF  }
0x10: {  	s20 =	sld [smem:$0x3FDB];
	_ =	sdelay $0x1  }
0x11: {  	s4 =	simm.s32 $_scs_section_size  }
0x12: {  	s5 =	simm.s32 $_size__tile_overlayer_lowered;
	s6 =	simm.s32 $_tile_overlayer_lowered  }
0x13: {  	s23 =	simm.s32 $0x1BFF;
	s22 =	sshll.u32 s6, $0x1;
	s3 =	sadd.s32 s4, s20  }
0x14: {  	s7 =	simm.s32 $0x0;
	s21 =	sshll.u32 s5, $0x1;
	s5 =	sadd.s32 s22, s3  }
0x15: {  	[timem:s7], [sflag:s23] =	dma.local [hbm:s5], s21  }
0x16: {  	_ =	swait.ge [sflag:s23], s21  }
0x17: {  	s4 =	ssub.s32 $0x0, s21;
	[sflag:s23] =	ssyncset.done $0x0  }
0x18: {  	[sflag:s23] =	ssyncadd.s32 s4;
	_ =	sdelay $0x1  }
0x19: {  	s24 =	simm.s32 $0x1B8B  }
0x1a: {  	_ =	swait.ge [sflag:s24], $0x1  }
0x1b: {  	[sflag:s24] =	ssyncset.done $0x0  }
0x1c: {  	s26 =	simm.s32 $0x1B8E;
	s25 =	sld [smem:$0x3FFE];
	[sflag:s24] =	ssyncadd.s32 $0xFFFFFFFF  }
0x1d: {  	s27 =	simm.s32 $execute0_lowered;
	[smem:$0x3FD2] =	sst s26  }
0x1e: {  	s5 =	sshll.u32 s27, $0x1;
	_ =	strace $0x80000046;
	[dreg:$0x1] =	wrdreg $0xFFFFFFFF  }
0x1f: {  	s28 =	simm.s32 $_size_execute0_lowered;
	s3 =	sadd.s32 s3, s5;
	[dreg:$0x0] =	wrdreg $0x0  }
0x20: {  	s5 =	sshll.u32 s28, $0x1;
	[dreg:$0x2] =	wrdreg s3  }
0x21: {  	[dreg:$0x3] =	wrdreg s5  }
0x22: {  	[dreg:$0x4] =	wrdreg $0xC0  }
0x23: {  	_ =	task [dreg:s7], $0x5FFFF  }
0x24: {  	[dreg:$0x1] =	wrdreg $0xFFFFFFFF  }
0x25: {  	[dreg:$0x0] =	wrdreg $0x60  }
0x26: {  	[dreg:$0x2] =	wrdreg s25  }
0x27: {  	[dreg:$0x3] =	wrdreg s2  }
0x28: {  	[dreg:$0x4] =	wrdreg $0x9  }
0x29: {  	_ =	task.clear_ibuf [dreg:s7], $0x5FFFF;
	_ =	strace $0x90000046  }
0x2a: {  	s29 =	simm.s32 $0x9;
	_ =	strace $0x80000048  }
0x2b: {  	_ =	swait.ge [sflag:s29], $0x1  }
0x2c: {  	[sflag:s29] =	ssyncadd.s32 $0xFFFFFFFF  }
0x2d: {  	_ =	strace $0x90000048  }
0x2e: {  	_ =	sfence  }
0x2f: {  	s30 =	sld [smem:$0x0];
	_ =	sdelay $0x2  }
0x30: {  	s31 =	sshll.u32 s1, $0xD;
	s1 =	sshrl.u32 s1, $0x2  }
0x31: {  	s3 =	sand.u32 $0x4000, s31;
	s1 =	sadd.s32 s1, s30  }
0x32: {  	s0 =	sor.u32 s3, s0;
	s1 =	sshll.u32 s1, $0x11  }
0x33: {  	s0 =	sor.u32 s1, s0  }
0x34: {  	s0 =	sadd.s32 $0x8F2B, s0  }
0x35: {  	[sflag:s0] =	ssyncadd.remote.s32 $0x1  }
0x36: {  	_ =	sfence.sel $0xFFFF  }
0x37: {  	[dreg:$0x0] =	wrdreg $0xFFFFFFFF;
	(pc) =	sbr.abs _section_cstart, $3  }
0x38: {  	[dreg:$0x1] =	wrdreg $0xFFFFFFFF  }
0x39: {  	_ =	task.clear_ibuf [dreg:s7], $0x2FFFF;
	_ =	strace $0x9FFFFFFF  }
0x3a: {  	(tm) =	ssettm $0x7FFFFFFF  }
0x3b: {  	_ =	shalt  }
tec
execute0_lowered:
.L_overlay_start_1:
0x0: {  	(tag) =	ssettag $0x1  }
0x1: {  	s0 =	rddreg [dreg:$0x0];
	s4 =	stileid.u32;
	_ =	strace $0x80000047  }
0x2: {  	s2 =	srdreg.scid;
	s30 =	simm.s32 $0x1;
	s31 =	simm.s32 $0x2  }
0x3: {  	s18 =	simm.s32 $0x0;
	s19 =	simm.s32 $0x0;
	s20 =	simm.s32 $0x0  }
0x4: {  	s10 =	simm.s32 $0x0;
	s11 =	simm.s32 $0x0;
	s17 =	simm.s32 $0x0  }
0x5: {  	s12 =	simm.s32 $0x0;
	s6 =	sand.u32 $0x1, s4;
	s29 =	sshll.u32 s2, $0x4  }
0x6: {  	s7 =	sadd.s32 $0x499200, s0;
	s1 =	ssub.s32 $0x2, s6;
	s0 =	sand.u32 $0x10, s29  }
0x7: {  	[dreg:$0x3] =	wrdreg s6;
	s3 =	sshrl.u32 s1, $0x1;
	s1 =	sand.u32 $0x1, s1  }
.Ltmp0:
0x8: {  	s0 =	sor.u32 s4, s0;
	s1 =	sadd.s32 s1, s3;
	(pc) =	sbr.rel .LBB1_1-.Ltmp0, $4  }
0x9: {  	[dreg:$0x4] =	wrdreg s7;
	s9 =	sshrl.u32 s0, $0x1;
	s8 =	smul.u32 $0x1C, s1  }
0xa: {  	s16 =	simm.s32 $0x0;
	[sflag:s30] =	ssyncpa.u1 $0x0;
	[dreg:$0x6] =	wrdreg s9  }
0xb: {  	[sflag:s31] =	ssyncpa.u1 $0x0;
	s13 =	sor.u32 $0x1, s8;
	[dreg:$0x5] =	wrdreg s8  }
0xc: {  	s15 =	smov.u32 s6;
	s14 =	smov.u32 s9;
	[dreg:$0x7] =	wrdreg s13  }
.LBB1_13:
0xd: {  	s4 =	rddreg [dreg:$0xd]  }
0xe: {  	s23 =	rddreg [dreg:$0xc]  }
0xf: {  	s17 =	rddreg [dreg:$0x8]  }
0x10: {  	s26 =	rddreg [dreg:$0x1]  }
0x11: {  	s29 =	rddreg [dreg:$0xe]  }
0x12: {  	s0 =	sshll.u32 s11, $0x8;
	s1 =	sshll.u32 s10, $0x3;
	s6 =	rddreg [dreg:$0x3]  }
0x13: {  	p0 =	sgt.s32 s10, $0x80;
	s2 =	smov.u32 s10;
	s7 =	rddreg [dreg:$0x4]  }
0x14: {  	s3 =	sshll.u32 s11, $0x7;
	s24 =	sand.u32 $0x78, s10;
	s8 =	rddreg [dreg:$0x5]  }
0x15: {  	s27 =	sand.u32 $0x7, s10;
	s31 =	simm.s32 $0xE000;
	s9 =	rddreg [dreg:$0x6]  }
0x16: {  	s0 =	sand.u32 $0xFFFFF800, s0;
	s1 =	sand.u32 $0xFFFFFC00, s1;
	s2 =	simm.s32 @!p0 $0x80  }
0x17: {  	s20 =	sand.u32 $0x300, s3;
	s0 =	sadd.s32 s0, s1;
	s2 =	sadd.s32 s4, s2  }
0x18: {  	s5 =	smul.u32 $0xA8000, s17;
	s0 =	sor.u32 s20, s0;
	s21 =	sadd.s32 $0xFFFFFF80, s2  }
0x19: {  	s1 =	ssub.s32 $0x100, s2;
	s0 =	sshrl.u32 s0, $0x8;
	p0 =	sgt.s32 s21, $0x7F  }
0x1a: {  	s13 =	rddreg [dreg:$0x7];
	s22 =	smulhi.u32 $0x124924A, s0;
	s1 =	simm.s32 @p0 $0x0  }
0x1b: {  	s18 =	rddreg [dreg:$0x9];
	s3 =	sand.u32 $0x80, s3;
	s1 =	smul.u32 s1, s23  }
0x1c: {  	s19 =	rddreg [dreg:$0xa];
	s3 =	sor.u32 s24, s3;
	s2 =	smul.u32 $0xE0, s22  }
0x1d: {  	s28 =	sshll.u32 s27, $0x12;
	s4 =	sor.u32 $0x8000, s29;
	s25 =	sshrl.u32 s3, $0x3  }
0x1e: {  	s3 =	sadd.s32 s26, s5;
	s1 =	smul.u32 $0x60, s1;
	s0 =	ssub.s32 s0, s2  }
0x1f: {  	s30 =	sor.u32 $0x80, s28;
	s2 =	sadd.s32 s25, s3;
	s0 =	sshll.u32 s0, $0x5  }
0x20: {  	s20 =	rddreg [dreg:$0xb];
	s1 =	sand.u32 $0x3FFFFFE0, s1;
	s0 =	sadd.s32 s0, s2  }
0x21: {  	[hbm4b:s0+s30] =	stream.strided.scatter [tilespmem:s4], [sflag:$0x2], s1, s31, s30, $0x20;
	[tilespmem:$0x10100] =	vst v63  }
.LBB1_14:
0x22: {  	p0 =	slt.u32 s16, $0x2  }
0x23: {  	s0 =	smov.u32 s20;
	s2 =	smov.u32 s19;
	p1 =	sgt.s32 @!p0 s20, $0x1  }
0x24: {  	s1 =	sshra.s32 @!p0 s20, $0x1F;
	s3 =	sshra.s32 @!p0 s19, $0x1F;
	p1 =	por !p1, p0  }
0x25: {  	s1 =	sand.u32 @!p0 s1, s20;
	s0 =	simm.s32 @p1 $0x1;
	p1 =	sgt.s32 @!p0 s19, $0xDF  }
0x26: {  	p2 =	sgt.s32 @!p0 s18, $0x80;
	s1 =	sxor.u32 @!p0 $0xFFFFFFFF, s1;
	p1 =	por !p1, p0  }
0x27: {  	s0 =	sadd.s32 @!p0 s1, s0;
	s1 =	sand.u32 @!p0 s3, s19;
	s2 =	simm.s32 @p1 $0xDF  }
0x28: {  	p2 =	por !p2, p0;
	s3 =	smov.u32 s18;
	s1 =	ssub.s32 @!p0 s2, s1  }
0x29: {  	p1 =	sgt.s32 @!p0 s0, $0x0;
	s0 =	ssub.s32 @!p0 $0x1, s0;
	s2 =	sadd.s32 @!p0 $0xFFFFFF21, s1  }
0x2a: {  	s3 =	simm.s32 @p2 $0x80;
	p2 =	sgt.s32 @!p0 s2, $0x0;
	s2 =	sshra.s32 @!p0 s18, $0x1F  }
0x2b: {  	s0 =	smul.u32 @!p0 $0x60, s0;
	p1 =	por !p1, p0;
	s2 =	sand.u32 @!p0 s2, s18  }
0x2c: {  	s1 =	ssub.s32 @!p0 $0xE0, s1;
	p2 =	por !p2, p0;
	s2 =	ssub.s32 @!p0 s3, s2  }
0x2d: {  	s0 =	simm.s32 @!p1 $0x0;
	s1 =	simm.s32 @!p2 $0x0;
	s3 =	sadd.s32 @!p0 $0xFFFFFF80, s2  }
0x2e: {  	s4 =	smov.u32 s14;
	s0 =	smul.u32 @!p0 s0, s1;
	p1 =	sgt.s32 @!p0 s3, $0x7F  }
0x2f: {  	s1 =	ssub.s32 @!p0 $0x100, s2;
	s2 =	sadd.s32 $0x80, s12;
	p1 =	por !p1, p0  }
0x30: {  	s3 =	sadd.s32 $0x10, s14;
	s1 =	simm.s32 @!p1 $0x0;
	p1 =	sgt.s32 s2, $0xDF  }
0x31: {  	s0 =	smul.u32 @!p0 s1, s0;
	s4 =	smov.u32 @p1 s3  }
0x32: {  	s1 =	sadd.s32 $0x2, s15;
	s3 =	smov.u32 s15;
	p2 =	sgt.s32 s4, $0xDF  }
0x33: {  	s20 =	smov.u32 s17;
	s3 =	smov.u32 @p2 s1  }
0x34: {  	s17 =	smov.u32 s15;
	s2 =	simm.s32 @p1 $0x0;
	p1 =	sgt.s32 s3, $0x1  }
0x35: {  	s19 =	smov.u32 s11;
	s3 =	smov.u32 @p1 s6;
	p1 =	sne.s32 s16, s13  }
.Ltmp1:
0x36: {  	s11 =	smov.u32 s14;
	s18 =	smov.u32 s10;
	(pc) =	sbr.rel @!p1 .LBB1_15-.Ltmp1, $4  }
0x37: {  	s10 =	smov.u32 s12;
	s0 =	sand.u32 @!p0 $0x3FFFFFE0, s0;
	s1 =	simm.s32 @!p0 $0x2  }
0x38: {  	s12 =	smov.u32 s2;
	s4 =	smov.u32 @p2 s9;
	_ =	swait.ge @!p0 [sflag:s1], s0  }
0x39: {  	s0 =	ssub.s32 @!p0 $0x0, s0;
	s14 =	smov.u32 s4;
	[sflag:s1] =	ssyncset.done @!p0 $0x0  }
0x3a: {  	s16 =	sadd.s32 $0x1, s16;
	[sflag:s1] =	ssyncadd.s32 @!p0 s0;
	s15 =	smov.u32 s3  }
.LBB1_1:
0x3b: {  	p0 =	sge.u32 s16, s8;
	s2 =	smov.u32 s15;
	s4 =	smov.u32 s14  }
0x3c: {  	s31 =	sadd.s32 $0xFFFFFFFF, s16;
	s0 =	sand.u32 @!p0 $0x1FFFFFF, s12;
	p1 =	sgt.s32 @!p0 s15, $0x1  }
0x3d: {  	s3 =	sshra.s32 @!p0 s15, $0x1F;
	s5 =	sshra.s32 @!p0 s14, $0x1F;
	s1 =	smulhi.u32 @!p0 $0x2492493, s0  }
0x3e: {  	p1 =	por !p1, p0;
	s3 =	sand.u32 @!p0 s3, s15;
	s5 =	sand.u32 @!p0 s5, s14  }
0x3f: {  	s2 =	simm.s32 @p1 $0x1;
	p1 =	sgt.s32 @!p0 s14, $0xDF;
	s3 =	sxor.u32 @!p0 $0xFFFFFFFF, s3  }
0x40: {  	s1 =	sshrl.u32 @!p0 s1, $0x1;
	p1 =	por !p1, p0;
	s2 =	sadd.s32 @!p0 s3, s2  }
0x41: {  	s1 =	smul.u32 @!p0 $0xE0, s1;
	s4 =	simm.s32 @p1 $0xDF;
	p1 =	sgt.s32 @!p0 s12, $0x60  }
0x42: {  	p2 =	sgt.s32 @!p0 s2, $0x0;
	s2 =	sshll.u32 @!p0 s2, $0x7;
	s3 =	ssub.s32 @!p0 s4, s5  }
0x43: {  	p1 =	por !p1, p0;
	s4 =	smov.u32 s12;
	s5 =	sadd.s32 @!p0 $0xFFFFFF21, s3  }
0x44: {  	s4 =	simm.s32 @p1 $0x60;
	p1 =	sgt.s32 @!p0 s5, $0x0;
	s5 =	sshra.s32 @!p0 s12, $0x1F  }
0x45: {  	s2 =	ssub.s32 @!p0 $0x80, s2;
	p2 =	por !p2, p0;
	s5 =	sand.u32 @!p0 s5, s12  }
0x46: {  	s3 =	ssub.s32 @!p0 $0xE0, s3;
	p1 =	por !p1, p0;
	s4 =	ssub.s32 @!p0 s4, s5  }
0x47: {  	s2 =	simm.s32 @!p2 $0x0;
	s3 =	simm.s32 @!p1 $0x0;
	s5 =	sadd.s32 @!p0 $0xFFFFFFA0, s4  }
0x48: {  	s0 =	ssub.s32 @!p0 s0, s1;
	s2 =	smul.u32 @!p0 s3, s2;
	p1 =	sgt.s32 @!p0 s5, $0x7F  }
0x49: {  	s3 =	ssub.s32 @!p0 $0xE0, s4;
	s4 =	smul.u32 @!p0 $0xC4000, s15;
	p1 =	por !p1, p0  }
0x4a: {  	s1 =	smul.u32 @!p0 $0xE00, s14;
	s5 =	sxor.u32 @!p0 $0xFFFFFFFF, s16;
	s3 =	simm.s32 @!p1 $0x0  }
0x4b: {  	s5 =	sshll.u32 @!p0 s5, $0xE;
	s2 =	smul.u32 @!p0 s3, s2;
	s3 =	sadd.s32 @!p0 s7, s4  }
0x4c: {  	s0 =	sshll.u32 @!p0 s0, $0x4;
	s4 =	sand.u32 @!p0 $0x4000, s5;
	s1 =	sadd.s32 @!p0 s1, s3  }
0x4d: {  	s2 =	sand.u32 @!p0 $0x3FFFFF80, s2;
	s0 =	sadd.s32 @!p0 s0, s1;
	s1 =	simm.s32 @!p0 $0x0  }
0x4e: {  	[tilespmem:s4], [sflag:$0x1] =	stream.linear.gather @!p0 [hbm4b:s0+s1], s2, $0x38;
	[tilespmem:$0x10100] =	vst v63  }
0x4f: {  	p0 =	sge.u32 s31, s8  }
.Ltmp2:
0x50: {  	_ = 	snop;
	(pc) =	sbr.rel @p0 .LBB1_14-.Ltmp2, $1  }
0x51: {  	_ =	sdelay $0x3  }
0x52: {  	p0 =	sgt.s32 s17, $0x1  }
0x53: {  	s0 =	sshra.s32 s17, $0x1F;
	p1 =	sgt.s32 s11, $0xDF;
	s1 =	smov.u32 s11  }
0x54: {  	s2 =	sshra.s32 s11, $0x1F;
	s3 =	smov.u32 s17;
	s24 =	ssub.s32 $0x0, s10  }
0x55: {  	s25 =	sshra.s32 s10, $0x1F;
	p2 =	sgt.s32 s10, $0x60;
	s4 =	smov.u32 s10  }
0x56: {  	s0 =	sand.u32 s0, s17;
	s1 =	simm.s32 @!p1 $0xDF;
	s2 =	sand.u32 s2, s11  }
0x57: {  	s3 =	simm.s32 @!p0 $0x1;
	s0 =	sxor.u32 $0xFFFFFFFF, s0;
	s1 =	ssub.s32 s1, s2  }
0x58: {  	s4 =	simm.s32 @!p2 $0x60;
	s0 =	sadd.s32 s0, s3;
	s2 =	sadd.s32 $0xFFFFFF21, s1  }
0x59: {  	s1 =	ssub.s32 $0xE0, s1;
	p0 =	sgt.s32 s0, $0x0;
	s0 =	ssub.s32 $0x1, s0  }
0x5a: {  	p1 =	sgt.s32 s2, $0x0;
	s2 =	sand.u32 s24, s25;
	s0 =	simm.s32 @p0 $0x0  }
0x5b: {  	s1 =	simm.s32 @p1 $0x0;
	[dreg:$0xd] =	wrdreg s2;
	s2 =	sadd.s32 s2, s4  }
0x5c: {  	s26 =	smul.u32 s0, s1;
	s27 =	sadd.s32 $0xFFFFFFA0, s2  }
0x5d: {  	s0 =	ssub.s32 $0xE0, s2;
	s1 =	sadd.s32 $0x1, s17;
	p0 =	sgt.s32 s27, $0x7F  }
0x5e: {  	s2 =	sadd.s32 $0x1, s11;
	s0 =	simm.s32 @p0 $0x0;
	p0 =	slt.s32 s1, $0x2  }
0x5f: {  	s1 =	simm.s32 @!p0 $0x2;
	p0 =	slt.s32 s2, $0xE0  }
0x60: {  	s23 =	ssub.s32 s1, s17;
	s2 =	simm.s32 @!p0 $0xE0;
	s1 =	sadd.s32 $0x80, s10  }
0x61: {  	s24 =	ssub.s32 s2, s11;
	p1 =	slt.s32 s1, $0xE0;
	p0 =	slt.s32 s23, $0x1  }
0x62: {  	[dreg:$0xb] =	wrdreg s20;
	s1 =	simm.s32 @!p1 $0xE0;
	p1 =	slt.s32 @!p0 s24, $0x1  }
0x63: {  	[dreg:$0xa] =	wrdreg s19;
	s25 =	ssub.s32 s1, s10;
	p1 =	por p0, p1  }
0x64: {  	[dreg:$0x9] =	wrdreg s18;
	s0 =	smul.u32 s0, s26;
	p2 =	slt.s32 @!p1 s25, $0x1  }
0x65: {  	[dreg:$0x8] =	wrdreg s17;
	p1 =	por p1, p2  }
.Ltmp3:
0x66: {  	s29 =	simm.s32 $0x1;
	s0 =	sshll.u32 s0, $0x7;
	(pc) =	sbr.rel @p1 .LBB1_13-.Ltmp3, $4  }
0x67: {  	[dreg:$0xc] =	wrdreg s26;
	s28 =	sand.u32 $0x3FFFFF80, s0;
	s0 =	sand.u32 $0x1, s16  }
0x68: {  	_ =	swait.ge [sflag:s29], s28;
	s31 =	smul.u32 $0x4080, s0  }
0x69: {  	s30 =	ssub.s32 $0x0, s28;
	[sflag:s29] =	ssyncset.done $0x0  }
0x6a: {  	[sflag:s29] =	ssyncadd.s32 s30;
	[dreg:$0xe] =	wrdreg s31  }
.Ltmp4:
0x6b: {  	(pc) =	sbr.rel .LBB1_4-.Ltmp4, $3  }
0x6c: {  	_ =	sdelay $0x1  }
0x6d: {  	s26 =	sshll.u32 @!p0 s0, $0xE;
	s0 =	rddreg [dreg:$0xe]  }
0x6e: {  	s28 =	simm.s32 $0x0;
	s27 =	sor.u32 @!p0 $0x8000, s0  }
.LBB1_12:
0x6f: {  	s28 =	sadd.s32 $0x1, s28  }
0x70: {  	p0 =	sne.s32 s28, s23  }
.Ltmp5:
0x71: {  	_ = 	snop;
	(pc) =	sbr.rel @!p0 .LBB1_13-.Ltmp5, $1  }
0x72: {  	_ =	sdelay $0x3  }
.LBB1_4:
0x73: {  	s0 =	smul.u32 $0x10200, s28;
	_ =	sdelay $0x1  }
0x74: {  	s0 =	sshra.s32 s0, $0x2  }
0x75: {  	s29 =	sadd.s32 s0, s27  }
0x76: {  	s9 =	simm.s32 $0x0;
	s30 =	sadd.s32 $0x810, s29;
	s31 =	sadd.s32 $0x1020, s29  }
0x77: {  	s0 =	sadd.s32 $0x1830, s29;
	s1 =	sadd.s32 $0x2040, s29;
	s2 =	sadd.s32 $0x2850, s29  }
.LBB1_5:
0x78: {  	s3 =	sadd.s32 s28, s9  }
0x79: {  	s3 =	sshll.u32 s3, $0x10  }
0x7a: {  	s3 =	sshra.s32 s3, $0x2  }
0x7b: {  	s3 =	sadd.s32 s3, s26  }
0x7c: {  	v0 =	vmov s3;
	_ =	sdelay $0x2  }
0x7d: {  	s17 =	simm.s32 $0x0  }
0x7e: {  	p1 =	sne.s32 s25, $0x1;
	s21 =	sand.u32 $0x3F80, s17  }
.Ltmp6:
0x7f: {  	s22 =	sand.u32 $0x7, s9;
	v8 =	vld.idx.msk [tilespmem:v0+s21+$0x0 ss:$0x1], $0xffff;
	(pc) =	sbr.rel @!p1 .LBB1_6-.Ltmp6, $4  }
0x80: {  	s13 =	simm.s32 $0x1;
	s5 =	smul.u32 $0x81, s22;
	v9 =	vld.idx.msk [tilespmem:v0+s21+$0x10 ss:$0x1], $0xffff  }
0x81: {  	s18 =	simm.s32 $0x80;
	p0 =	por $0x0, $0x0;
	s17 =	sand.u32 $0x7F, s17;
	v10 =	vld.idx.msk [tilespmem:v0+s21+$0x20 ss:$0x1], $0xffff  }
0x82: {  	s6 =	sadd.s32 s5, s29;
	s7 =	sadd.s32 s5, s31;
	s8 =	sadd.s32 s5, s0;
	v11 =	vld.idx.msk [tilespmem:v0+s21+$0x30 ss:$0x1], $0xffff  }
0x83: {  	s4 =	sadd.s32 s5, s1;
	s3 =	sadd.s32 s5, s30;
	s5 =	sadd.s32 s5, s2;
	v7 =	vld.idx.msk [tilespmem:v0+s21+$0x40 ss:$0x1], $0xffff  }
0x84: {  	_ =	sdelay $0x3  }
0x85: {  	s20 =	sand.u32 $0x3F80, s18;
	s19 =	sadd.s32 s17, s6;
	v1 =	vld.idx.msk [tilespmem:v0+s21+$0x50 ss:$0x1], $0xffff;
	p1 =	sne.s32 s25, $0x2  }
.Ltmp7:
0x86: {  	s22 =	sadd.s32 s17, s3;
	v2 =	vld.idx.msk [tilespmem:v0+s20+$0x0 ss:$0x1], $0xffff;
	[tilespmem:s19+$0x0 ss:$0x81] =	vst.msk $0xffff, v8;
	(pc) =	sbr.rel @!p1 .LBB1_8-.Ltmp7, $4  }
0x87: {  	v3 =	vld.idx.msk [tilespmem:v0+s20+$0x10 ss:$0x1], $0xffff;
	[tilespmem:s22+$0x0 ss:$0x81] =	vst.msk $0xffff, v9;
	s19 =	sadd.s32 s17, s7  }
0x88: {  	v4 =	vld.idx.msk [tilespmem:v0+s20+$0x20 ss:$0x1], $0xffff;
	s22 =	sadd.s32 s17, s8;
	[tilespmem:s19+$0x0 ss:$0x81] =	vst.msk $0xffff, v10  }
0x89: {  	s21 =	simm.s32 $0x2;
	s18 =	sadd.s32 s17, s5;
	v5 =	vld.idx.msk [tilespmem:v0+s20+$0x30 ss:$0x1], $0xffff;
	s19 =	sadd.s32 s17, s4;
	[tilespmem:s22+$0x0 ss:$0x81] =	vst.msk $0xffff, v11  }
0x8a: {  	p0 =	por $0x1, $0x1;
	v6 =	vld.idx.msk [tilespmem:v0+s20+$0x40 ss:$0x1], $0xffff;
	s22 =	sand.u32 $0x7F, s13;
	s13 =	simm.s32 $0x100;
	[tilespmem:s19+$0x0 ss:$0x81] =	vst.msk $0xffff, v7  }
.LBB1_9:
0x8b: {  	s19 =	smov.u32 s21;
	s21 =	sadd.s32 $0x1, s21  }
0x8c: {  	s17 =	sadd.s32 s22, s6;
	[tilespmem:s18+$0x0 ss:$0x81] =	vst.msk $0xffff, v1;
	v1 =	vld.idx.msk [tilespmem:v0+s20+$0x50 ss:$0x1], $0xffff;
	s20 =	sand.u32 $0x3F80, s13;
	p1 =	sne.s32 s25, s21  }
.Ltmp8:
0x8d: {  	[tilespmem:s17+$0x0 ss:$0x81] =	vst.msk $0xffff, v2;
	v2 =	vld.idx.msk [tilespmem:v0+s20+$0x0 ss:$0x1], $0xffff;
	s17 =	sadd.s32 s22, s3;
	(pc) =	sbr.rel @p1 .LBB1_9-.Ltmp8, $4  }
0x8e: {  	[tilespmem:s17+$0x0 ss:$0x81] =	vst.msk $0xffff, v3;
	v3 =	vld.idx.msk [tilespmem:v0+s20+$0x10 ss:$0x1], $0xffff;
	s17 =	sadd.s32 s22, s7  }
0x8f: {  	[tilespmem:s17+$0x0 ss:$0x81] =	vst.msk $0xffff, v4;
	v4 =	vld.idx.msk [tilespmem:v0+s20+$0x20 ss:$0x1], $0xffff;
	s17 =	sadd.s32 s22, s8  }
0x90: {  	[tilespmem:s17+$0x0 ss:$0x81] =	vst.msk $0xffff, v5;
	v5 =	vld.idx.msk [tilespmem:v0+s20+$0x30 ss:$0x1], $0xffff;
	s17 =	sadd.s32 s22, s4  }
0x91: {  	s13 =	sadd.s32 $0x80, s13;
	s18 =	sadd.s32 s22, s5;
	s22 =	sand.u32 $0x7F, s19;
	[tilespmem:s17+$0x0 ss:$0x81] =	vst.msk $0xffff, v6;
	v6 =	vld.idx.msk [tilespmem:v0+s20+$0x40 ss:$0x1], $0xffff  }
0x92: {  	_ =	sdelay $0x3  }
0x93: {  	s17 =	smov.u32 s22;
	s21 =	smov.u32 s20;
	v8 =	vmovc v2;
	v9 =	vmovc v3;
	v10 =	vmov v4;
	v11 =	vmov v5;
	v7 =	vmov v6  }
.LBB1_11:
0x94: {  	_ =	sdelay $0x2  }
0x95: {  	s6 =	sadd.s32 s17, s6;
	[tilespmem:s18+$0x0 ss:$0x81] =	vst.msk @p0 $0xffff, v1;
	s9 =	sadd.s32 $0x1, s9  }
0x96: {  	v0 =	vld.idx.msk [tilespmem:v0+s21+$0x50 ss:$0x1], $0xffff;
	s3 =	sadd.s32 s17, s3;
	[tilespmem:s6+$0x0 ss:$0x81] =	vst.msk $0xffff, v8;
	p0 =	sne.s32 s9, s24  }
.Ltmp9:
0x97: {  	s19 =	sadd.s32 s17, s7;
	[tilespmem:s3+$0x0 ss:$0x81] =	vst.msk $0xffff, v9;
	(pc) =	sbr.rel @p0 .LBB1_5-.Ltmp9, $4  }
.Ltmp10:
0x98: {  	s20 =	sadd.s32 s17, s8;
	[tilespmem:s19+$0x0 ss:$0x81] =	vst.msk $0xffff, v10;
	(pc) =	sbr.rel @!p0 .LBB1_12-.Ltmp10, $4  }
0x99: {  	s21 =	sadd.s32 s17, s4;
	[tilespmem:s20+$0x0 ss:$0x81] =	vst.msk $0xffff, v11  }
0x9a: {  	s22 =	sadd.s32 s17, s5;
	[tilespmem:s21+$0x0 ss:$0x81] =	vst.msk $0xffff, v7  }
0x9b: {  	[tilespmem:s22+$0x0 ss:$0x81] =	vst.msk $0xffff, v0  }
0x9c: {  	_ = 	snop  }
.LBB1_6:
.Ltmp11:
0x9d: {  	(pc) =	sbr.rel .LBB1_11-.Ltmp11, $2  }
0x9e: {  	_ =	sdelay $0x2  }
0x9f: {  	_ = 	snop  }
.LBB1_8:
.Ltmp12:
0xa0: {  	_ = 	snop;
	(pc) =	sbr.rel .LBB1_11-.Ltmp12, $2  }
0xa1: {  	_ =	sdelay $0x2  }
0xa2: {  	s17 =	smov.u32 s22;
	s21 =	smov.u32 s20;
	v8 =	vmovc v2;
	v9 =	vmovc v3;
	v10 =	vmov v4;
	v11 =	vmov v5;
	v7 =	vmov v6  }
.LBB1_15:
0xa3: {  	_ =	sfence.sel $0x180000  }
0xa4: {  	s0 =	simm.s32 $0x1;
	[bflag:$0x0] =	sbarrier.arrive $0xFFFF  }
0xa5: {  	s30 =	simm.s32 $0x2;
	[sflag:s0] =	ssyncpa.u1 $0x1  }
0xa6: {  	[sflag:s30] =	ssyncpa.u1 $0x1  }
0xa7: {  	_ =	strace $0x90000047  }
0xa8: {  	s31 =	stileid.u32;
	[bflag:$0x2] =	sbarrier.arrive $0xFFFF  }
0xa9: {  	p0 =	sne.s32 s31, $0x0;
	s0 =	rddreg [dreg:$0x2]  }
0xaa: {  	s0 =	sadd.s32 @!p0 $0x100000, s0  }
0xab: {  	[sflag:s0] =	ssyncadd.tile.s32 @!p0 $0x1;
	_ =	shalt  }
.Lfunc_end1:
_tile_overlayer_lowered:
.L_overlay_start_2:
0xac: {  	(tag) =	ssettag $0x2  }
0xad: {  	s0 =	rddreg [dreg:$0x0];
	s2 =	stileid.u32  }
0xae: {  	s1 =	rddreg [dreg:$0x1];
	p0 =	sne.s32 s2, $0x0  }
0xaf: {  	s3 =	rddreg [dreg:$0x2];
	[bflag:$0x3] =	sbarrier.arrive $0xFFFF;
	s2 =	simm.s32 @!p0 $0x1C01  }
0xb0: {  	[timem:s3], [sflag:s2] =	dma.local @!p0 [hbm:s0], s1  }
0xb1: {  	s0 =	simm.s32 @!p0 $0x1  }
0xb2: {  	_ =	swait.ge @!p0 [sflag:s0], s1  }
0xb3: {  	s1 =	ssub.s32 @!p0 $0x0, s1;
	[sflag:s0] =	ssyncset.done @!p0 $0x0  }
0xb4: {  	[sflag:s0] =	ssyncadd.s32 @!p0 s1  }
0xb5: {  	[bflag:$0x3] =	sbarrier.arrive $0xFFFF  }
0xb6: {  	_ =	shalt  }

</sc_bundles>
